<compile_context>
chip_gen: v7x
topology: tpu7x:2x2x1
jax: 0.10.2.dev20260603
libtpu: 0.0.44.dev20260713+nightly
codegen_flags: <defaults>
</compile_context>

<pallas_src>
import functools

import jax
import jax.numpy as jnp
from jax import lax
from jax.experimental import pallas as pl
from jax.experimental.pallas import tpu as pltpu
from jax.experimental.pallas import tpu_sc as plsc

B = 16384
D = 64
NC, NS = 2, 16
NW = NC * NS
B_PER_W = B // NW
CHUNK = 64

_row_t = jax.ShapeDtypeStruct((B, D), jnp.float32)


@functools.cache
def _build_sc_gather():
    mesh = plsc.VectorSubcoreMesh(core_axis_name="c", subcore_axis_name="s",
                                  num_cores=NC, num_subcores=NS)

    @functools.partial(
        pl.kernel,
        mesh=mesh,
        out_type=(_row_t, _row_t, _row_t, _row_t),
        scratch_types=[
            pltpu.SMEM((B_PER_W,), jnp.int32),
            pltpu.SMEM((B_PER_W,), jnp.int32),
            pltpu.VMEM_SHARED((B,), jnp.int32),
            pltpu.VMEM_SHARED((B,), jnp.int32),
            pltpu.VMEM((CHUNK, D), jnp.float32),
            pltpu.VMEM((CHUNK, D), jnp.float32),
            pltpu.VMEM((CHUNK, D), jnp.float32),
            pltpu.VMEM((CHUNK, D), jnp.float32),
            pltpu.SemaphoreType.DMA,
            pltpu.SemaphoreType.DMA,
            pltpu.SemaphoreType.DMA,
            pltpu.SemaphoreType.DMA,
        ],
    )
    def _sc_gather(uidx_hbm, iidx_hbm, mfu_hbm, mfi_hbm, mlpu_hbm, mlpi_hbm,
                   mfu_out, mfi_out, mlpu_out, mlpi_out,
                   uidx_s, iidx_s, ush, ish, bmfu, bmfi, bmlpu, bmlpi,
                   sem, sem2, sem3, sem4):
        wid = lax.axis_index("s") * NC + lax.axis_index("c")
        base = wid * B_PER_W
        sl = pl.ds(base, B_PER_W)
        pltpu.sync_copy(uidx_hbm.at[sl], ush.at[sl])
        pltpu.sync_copy(iidx_hbm.at[sl], ish.at[sl])
        pltpu.sync_copy(ush.at[sl], uidx_s)
        pltpu.sync_copy(ish.at[sl], iidx_s)

        @pl.loop(0, B_PER_W, step=CHUNK)
        def _(off):
            @plsc.parallel_loop(0, CHUNK, unroll=8)
            def _(r):
                u = jnp.minimum(jnp.maximum(uidx_s[off + r], 0), 999999)
                it = jnp.minimum(jnp.maximum(iidx_s[off + r], 0), 999999)
                pltpu.async_copy(mfu_hbm.at[u], bmfu.at[r], sem)
                pltpu.async_copy(mfi_hbm.at[it], bmfi.at[r], sem2)
                pltpu.async_copy(mlpu_hbm.at[u], bmlpu.at[r], sem3)
                pltpu.async_copy(mlpi_hbm.at[it], bmlpi.at[r], sem4)

            pltpu.make_async_copy(mfu_hbm.at[pl.ds(0, CHUNK)], bmfu,
                                  sem).wait()
            pltpu.make_async_copy(mfi_hbm.at[pl.ds(0, CHUNK)], bmfi,
                                  sem2).wait()
            pltpu.make_async_copy(mlpu_hbm.at[pl.ds(0, CHUNK)], bmlpu,
                                  sem3).wait()
            pltpu.make_async_copy(mlpi_hbm.at[pl.ds(0, CHUNK)], bmlpi,
                                  sem4).wait()
            dst = pl.ds(base + off, CHUNK)
            pltpu.sync_copy(bmfu, mfu_out.at[dst])
            pltpu.sync_copy(bmfi, mfi_out.at[dst])
            pltpu.sync_copy(bmlpu, mlpu_out.at[dst])
            pltpu.sync_copy(bmlpi, mlpi_out.at[dst])

    return _sc_gather


def _tc_body(mfu_ref, mfi_ref, mlpu_ref, mlpi_ref, w1u_ref, w1i_ref, b1_ref,
             w2_ref, b2_ref, w3_ref, b3_ref, wfmf_ref, wfh_ref, bf_ref,
             out_ref):
    mfv = mfu_ref[...] * mfi_ref[...]
    h = jnp.dot(mlpu_ref[...], w1u_ref[...],
                preferred_element_type=jnp.float32)
    h = h + jnp.dot(mlpi_ref[...], w1i_ref[...],
                    preferred_element_type=jnp.float32)
    h = jax.nn.relu(h + b1_ref[...])
    h = jax.nn.relu(jnp.dot(h, w2_ref[...],
                            preferred_element_type=jnp.float32) + b2_ref[...])
    h = jax.nn.relu(jnp.dot(h, w3_ref[...],
                            preferred_element_type=jnp.float32) + b3_ref[...])
    logit = (jnp.sum(mfv * wfmf_ref[...], axis=1, keepdims=True)
             + jnp.sum(h * wfh_ref[...], axis=1, keepdims=True)
             + bf_ref[0, 0])
    out_ref[...] = jax.nn.sigmoid(logit) * 5.0


BLK = 2048


def _tc_compute(mfu, mfi, mlpu, mlpi, w1u, w1i, b1r, w2t, b2r, w3t, b3r,
                wf_mf, wf_h, bf2):
    grid = (B // BLK,)
    row_spec = pl.BlockSpec((BLK, D), lambda i: (i, 0))

    def full(shape):
        return pl.BlockSpec(shape, lambda i: tuple(0 for _ in shape))

    return pl.pallas_call(
        _tc_body,
        grid=grid,
        in_specs=[
            row_spec, row_spec, row_spec, row_spec,
            full(w1u.shape), full(w1i.shape), full(b1r.shape),
            full(w2t.shape), full(b2r.shape),
            full(w3t.shape), full(b3r.shape),
            full(wf_mf.shape), full(wf_h.shape), full(bf2.shape),
        ],
        out_specs=pl.BlockSpec((BLK, 1), lambda i: (i, 0)),
        out_shape=jax.ShapeDtypeStruct((B, 1), jnp.float32),
    )(mfu, mfi, mlpu, mlpi, w1u, w1i, b1r, w2t, b2r, w3t, b3r,
      wf_mf, wf_h, bf2)


def kernel(user_ids, item_ids, mf_user_emb, mf_item_emb, mlp_user_emb,
           mlp_item_emb, W1, b1, W2, b2, W3, b3, Wf, bf):
    user_ids = user_ids.astype(jnp.int32)
    item_ids = item_ids.astype(jnp.int32)
    mfu, mfi, mlpu, mlpi = _build_sc_gather()(
        user_ids, item_ids, mf_user_emb, mf_item_emb, mlp_user_emb,
        mlp_item_emb)
    w1u = W1[:, :D].T
    w1i = W1[:, D:].T
    b1r = b1.reshape(1, -1)
    w2t = W2.T
    b2r = b2.reshape(1, -1)
    w3t = W3.T
    b3r = b3.reshape(1, -1)
    wf_mf = Wf[:, :D]
    wf_h = Wf[:, D:]
    bf2 = bf.reshape(1, 1)
    return _tc_compute(mfu, mfi, mlpu, mlpi, w1u, w1i, b1r, w2t, b2r, w3t,
                       b3r, wf_mf, wf_h, bf2)

# --- scband reference (transcript-rebuilt; emitter-appended) ---
"""Pipeline reference for scband-neu-mf-50568944943698 (READ-ONLY COPY).

The authoritative reference and input builder live on the scoring server;
editing this copy changes nothing except your own understanding.
"""

import jax, jax.numpy as jnp
import numpy as np

NUM_USERS = 1000000
NUM_ITEMS = 1000000
MF_DIM = 64
MLP_DIMS = [64, 32, 16]
BATCH = 16384


def setup_inputs(seed: int = 0) -> dict:
    key = jax.random.key(seed)
    ks = jax.random.split(key, 16)
    user_ids = jax.random.randint(ks[0], (BATCH,), 0, NUM_USERS)
    item_ids = jax.random.randint(ks[1], (BATCH,), 0, NUM_ITEMS)
    s = 0.02
    mf_user_emb = jax.random.normal(ks[2], (NUM_USERS, MF_DIM), dtype=jnp.float32) * s
    mf_item_emb = jax.random.normal(ks[3], (NUM_ITEMS, MF_DIM), dtype=jnp.float32) * s
    mlp_user_emb = jax.random.normal(ks[4], (NUM_USERS, MLP_DIMS[0]), dtype=jnp.float32) * s
    mlp_item_emb = jax.random.normal(ks[5], (NUM_ITEMS, MLP_DIMS[0]), dtype=jnp.float32) * s
    # MLP: input_dim = mf_dim*2 = 128 (== mlp_dims[0]*2 since mf_dim == mlp_dims[0])
    W1 = jax.random.normal(ks[6], (MLP_DIMS[0], MF_DIM * 2), dtype=jnp.float32) * s
    b1 = jnp.zeros((MLP_DIMS[0],), dtype=jnp.float32)
    W2 = jax.random.normal(ks[7], (MLP_DIMS[1], MLP_DIMS[0]), dtype=jnp.float32) * s
    b2 = jnp.zeros((MLP_DIMS[1],), dtype=jnp.float32)
    W3 = jax.random.normal(ks[8], (MLP_DIMS[2], MLP_DIMS[1]), dtype=jnp.float32) * s
    b3 = jnp.zeros((MLP_DIMS[2],), dtype=jnp.float32)
    Wf = jax.random.normal(ks[9], (1, MF_DIM + MLP_DIMS[-1]), dtype=jnp.float32) * s
    bf = jnp.zeros((1,), dtype=jnp.float32)
    return {
        "user_ids": user_ids, "item_ids": item_ids,
        "mf_user_emb": mf_user_emb, "mf_item_emb": mf_item_emb,
        "mlp_user_emb": mlp_user_emb, "mlp_item_emb": mlp_item_emb,
        "W1": W1, "b1": b1, "W2": W2, "b2": b2, "W3": W3, "b3": b3,
        "Wf": Wf, "bf": bf,
    }


def reference(user_ids, item_ids, mf_user_emb, mf_item_emb, mlp_user_emb, mlp_item_emb,
              W1, b1, W2, b2, W3, b3, Wf, bf):
    # GMF branch: elementwise product of user/item MF embeddings
    mf_u = jnp.take(mf_user_emb, user_ids, axis=0)
    mf_i = jnp.take(mf_item_emb, item_ids, axis=0)
    mf_vector = mf_u * mf_i
    # MLP branch: concat user/item MLP embeddings -> MLP (dropout is identity in eval)
    mlp_u = jnp.take(mlp_user_emb, user_ids, axis=0)
    mlp_i = jnp.take(mlp_item_emb, item_ids, axis=0)
    h = jnp.concatenate([mlp_u, mlp_i], axis=-1)
    h = jax.nn.relu(h @ W1.T + b1)
    h = jax.nn.relu(h @ W2.T + b2)
    h = jax.nn.relu(h @ W3.T + b3)
    combined = jnp.concatenate([mf_vector, h], axis=-1)
    prediction = jax.nn.sigmoid(combined @ Wf.T + bf) * 5.0
    return prediction

if __name__ == "__main__":
    import jax
    _d = setup_inputs()
    print(jax.jit(kernel)(*tuple(_d.values())))

</pallas_src>

<mosaic_0001>
#map = affine_map<(d0, d1) -> (0)>
#map1 = affine_map<(d0, d1) -> (0, 0)>
module attributes {stable_mosaic.version = 14 : i64} {
  func.func @_sc_gather(%arg0: i32, %arg1: i32, %arg2: memref<16384xi32, #tpu.memory_space<hbm>>, %arg3: memref<16384xi32, #tpu.memory_space<hbm>>, %arg4: memref<1000000x64xf32, #tpu.memory_space<hbm>>, %arg5: memref<1000000x64xf32, #tpu.memory_space<hbm>>, %arg6: memref<1000000x64xf32, #tpu.memory_space<hbm>>, %arg7: memref<1000000x64xf32, #tpu.memory_space<hbm>>, %arg8: memref<16384x64xf32, #tpu.memory_space<hbm>>, %arg9: memref<16384x64xf32, #tpu.memory_space<hbm>>, %arg10: memref<16384x64xf32, #tpu.memory_space<hbm>>, %arg11: memref<16384x64xf32, #tpu.memory_space<hbm>>, %arg12: memref<512xi32, #tpu.memory_space<smem>>, %arg13: memref<512xi32, #tpu.memory_space<smem>>, %arg14: memref<16384xi32, #tpu.memory_space<vmem_shared>>, %arg15: memref<16384xi32, #tpu.memory_space<vmem_shared>>, %arg16: memref<64x64xf32, #tpu.memory_space<vmem>>, %arg17: memref<64x64xf32, #tpu.memory_space<vmem>>, %arg18: memref<64x64xf32, #tpu.memory_space<vmem>>, %arg19: memref<64x64xf32, #tpu.memory_space<vmem>>, %arg20: memref<!tpu.dma_semaphore, #tpu.memory_space<semaphore_mem>>, %arg21: memref<!tpu.dma_semaphore, #tpu.memory_space<semaphore_mem>>, %arg22: memref<!tpu.dma_semaphore, #tpu.memory_space<semaphore_mem>>, %arg23: memref<!tpu.dma_semaphore, #tpu.memory_space<semaphore_mem>>) attributes {dimension_semantics = [#tpu.dimension_semantics<core_parallel>, #tpu.dimension_semantics<subcore_parallel>], iteration_bounds = array<i64: 2, 16>, scalar_prefetch = 0 : i64, scratch_operands = 12 : i64, tpu.core_type = #tpu.core_type<sc_vector_subcore>, window_params = [{transform_indices = #map}, {transform_indices = #map}, {transform_indices = #map1}, {transform_indices = #map1}, {transform_indices = #map1}, {transform_indices = #map1}, {transform_indices = #map1}, {transform_indices = #map1}, {transform_indices = #map1}, {transform_indices = #map1}]} {
    %mul3A = arith.constant 2 : i32
    %mul3A_0 = arith.muli %arg1, %mul3A : i32
    %add3A = arith.addi %mul3A_0, %arg0 : i32
    %mul3A_1 = arith.constant 512 : i32
    %mul3A_2 = arith.muli %add3A, %mul3A_1 : i32
    "tpu.region"() ({
      %run_scoped3A = tpu.sem_alloc : memref<!tpu.dma_semaphore, #tpu.memory_space<semaphore_mem>>
      %dma_start3A = tpu.memref_slice %arg14[%mul3A_2] : memref<16384xi32, #tpu.memory_space<vmem_shared>> -> memref<512xi32, #tpu.memory_space<vmem_shared>>
      %dma_start3A_7 = tpu.memref_slice %arg2[%mul3A_2] : memref<16384xi32, #tpu.memory_space<hbm>> -> memref<512xi32, #tpu.memory_space<hbm>>
      tpu.enqueue_dma source(%dma_start3A_7 : memref<512xi32, #tpu.memory_space<hbm>>) target(%dma_start3A : memref<512xi32, #tpu.memory_space<vmem_shared>>) target_semaphore(%run_scoped3A : memref<!tpu.dma_semaphore, #tpu.memory_space<semaphore_mem>>)
      %dma_wait3A = tpu.memref_slice %arg14[%mul3A_2] : memref<16384xi32, #tpu.memory_space<vmem_shared>> -> memref<512xi32, #tpu.memory_space<vmem_shared>>
      %dma_wait3A_8 = tpu.memref_slice %arg2[%mul3A_2] : memref<16384xi32, #tpu.memory_space<hbm>> -> memref<512xi32, #tpu.memory_space<hbm>>
      tpu.wait_dma2 semaphore(%run_scoped3A : memref<!tpu.dma_semaphore, #tpu.memory_space<semaphore_mem>>) src(%dma_wait3A_8 : memref<512xi32, #tpu.memory_space<hbm>>) dst(%dma_wait3A : memref<512xi32, #tpu.memory_space<vmem_shared>>)
      tpu.yield
    }) : () -> ()
    "tpu.region"() ({
      %run_scoped3A = tpu.sem_alloc : memref<!tpu.dma_semaphore, #tpu.memory_space<semaphore_mem>>
      %dma_start3A = tpu.memref_slice %arg15[%mul3A_2] : memref<16384xi32, #tpu.memory_space<vmem_shared>> -> memref<512xi32, #tpu.memory_space<vmem_shared>>
      %dma_start3A_7 = tpu.memref_slice %arg3[%mul3A_2] : memref<16384xi32, #tpu.memory_space<hbm>> -> memref<512xi32, #tpu.memory_space<hbm>>
      tpu.enqueue_dma source(%dma_start3A_7 : memref<512xi32, #tpu.memory_space<hbm>>) target(%dma_start3A : memref<512xi32, #tpu.memory_space<vmem_shared>>) target_semaphore(%run_scoped3A : memref<!tpu.dma_semaphore, #tpu.memory_space<semaphore_mem>>)
      %dma_wait3A = tpu.memref_slice %arg15[%mul3A_2] : memref<16384xi32, #tpu.memory_space<vmem_shared>> -> memref<512xi32, #tpu.memory_space<vmem_shared>>
      %dma_wait3A_8 = tpu.memref_slice %arg3[%mul3A_2] : memref<16384xi32, #tpu.memory_space<hbm>> -> memref<512xi32, #tpu.memory_space<hbm>>
      tpu.wait_dma2 semaphore(%run_scoped3A : memref<!tpu.dma_semaphore, #tpu.memory_space<semaphore_mem>>) src(%dma_wait3A_8 : memref<512xi32, #tpu.memory_space<hbm>>) dst(%dma_wait3A : memref<512xi32, #tpu.memory_space<vmem_shared>>)
      tpu.yield
    }) : () -> ()
    "tpu.region"() ({
      %run_scoped3A = tpu.sem_alloc : memref<!tpu.dma_semaphore, #tpu.memory_space<semaphore_mem>>
      %dma_start3A = tpu.memref_slice %arg14[%mul3A_2] : memref<16384xi32, #tpu.memory_space<vmem_shared>> -> memref<512xi32, #tpu.memory_space<vmem_shared>>
      tpu.enqueue_dma source(%dma_start3A : memref<512xi32, #tpu.memory_space<vmem_shared>>) target(%arg12 : memref<512xi32, #tpu.memory_space<smem>>) target_semaphore(%run_scoped3A : memref<!tpu.dma_semaphore, #tpu.memory_space<semaphore_mem>>)
      %dma_wait3A = tpu.memref_slice %arg14[%mul3A_2] : memref<16384xi32, #tpu.memory_space<vmem_shared>> -> memref<512xi32, #tpu.memory_space<vmem_shared>>
      tpu.wait_dma2 semaphore(%run_scoped3A : memref<!tpu.dma_semaphore, #tpu.memory_space<semaphore_mem>>) src(%dma_wait3A : memref<512xi32, #tpu.memory_space<vmem_shared>>) dst(%arg12 : memref<512xi32, #tpu.memory_space<smem>>)
      tpu.yield
    }) : () -> ()
    "tpu.region"() ({
      %run_scoped3A = tpu.sem_alloc : memref<!tpu.dma_semaphore, #tpu.memory_space<semaphore_mem>>
      %dma_start3A = tpu.memref_slice %arg15[%mul3A_2] : memref<16384xi32, #tpu.memory_space<vmem_shared>> -> memref<512xi32, #tpu.memory_space<vmem_shared>>
      tpu.enqueue_dma source(%dma_start3A : memref<512xi32, #tpu.memory_space<vmem_shared>>) target(%arg13 : memref<512xi32, #tpu.memory_space<smem>>) target_semaphore(%run_scoped3A : memref<!tpu.dma_semaphore, #tpu.memory_space<semaphore_mem>>)
      %dma_wait3A = tpu.memref_slice %arg15[%mul3A_2] : memref<16384xi32, #tpu.memory_space<vmem_shared>> -> memref<512xi32, #tpu.memory_space<vmem_shared>>
      tpu.wait_dma2 semaphore(%run_scoped3A : memref<!tpu.dma_semaphore, #tpu.memory_space<semaphore_mem>>) src(%dma_wait3A : memref<512xi32, #tpu.memory_space<vmem_shared>>) dst(%arg13 : memref<512xi32, #tpu.memory_space<smem>>)
      tpu.yield
    }) : () -> ()
    %scan3A = arith.constant 0 : i32
    %scan3A_3 = arith.constant 8 : i32
    %scan3A_4 = arith.addi %scan3A, %scan3A_3 : i32
    %scan3A_5 = arith.constant 1 : i32
    scf.for %scan3A_7 = %scan3A to %scan3A_4 step %scan3A_5  : i32 {
      %mul3A_8 = arith.constant 64 : i32
      %mul3A_9 = arith.muli %scan3A_7, %mul3A_8 : i32
      %add3A_10 = arith.constant 0 : i32
      %add3A_11 = arith.addi %add3A_10, %mul3A_9 : i32
      %parallel_loop3A = arith.constant 0 : i32
      %parallel_loop3A_12 = arith.constant 64 : i32
      %parallel_loop3A_13 = arith.constant 1 : i32
      scf.for %parallel_loop3A_38 = %parallel_loop3A to %parallel_loop3A_12 step %parallel_loop3A_13  : i32 {
        %parallel_loop3A_39 = arith.addi %add3A_11, %parallel_loop3A_38 : i32
        %parallel_loop3A_40 = arith.index_cast %parallel_loop3A_39 : i32 to index
        %parallel_loop3A_41 = memref.load %arg12[%parallel_loop3A_40] : memref<512xi32, #tpu.memory_space<smem>>
        %parallel_loop3A_42 = arith.constant 0 : i32
        %parallel_loop3A_43 = arith.maxsi %parallel_loop3A_41, %parallel_loop3A_42 : i32
        %parallel_loop3A_44 = arith.constant 999999 : i32
        %parallel_loop3A_45 = arith.minsi %parallel_loop3A_43, %parallel_loop3A_44 : i32
        %parallel_loop3A_46 = arith.addi %add3A_11, %parallel_loop3A_38 : i32
        %parallel_loop3A_47 = arith.index_cast %parallel_loop3A_46 : i32 to index
        %parallel_loop3A_48 = memref.load %arg13[%parallel_loop3A_47] : memref<512xi32, #tpu.memory_space<smem>>
        %parallel_loop3A_49 = arith.constant 0 : i32
        %parallel_loop3A_50 = arith.maxsi %parallel_loop3A_48, %parallel_loop3A_49 : i32
        %parallel_loop3A_51 = arith.constant 999999 : i32
        %parallel_loop3A_52 = arith.minsi %parallel_loop3A_50, %parallel_loop3A_51 : i32
        %parallel_loop3A_53 = arith.constant 0 : i32
        %parallel_loop3A_54 = tpu.memref_slice %arg16[%parallel_loop3A_38, %parallel_loop3A_53] : memref<64x64xf32, #tpu.memory_space<vmem>> -> memref<1x64xf32, #tpu.memory_space<vmem>>
        %parallel_loop3A_55 = tpu.memref_squeeze %parallel_loop3A_54 : memref<1x64xf32, #tpu.memory_space<vmem>> -> memref<64xf32, #tpu.memory_space<vmem>>
        %parallel_loop3A_56 = arith.constant 0 : i32
        %parallel_loop3A_57 = tpu.memref_slice %arg4[%parallel_loop3A_45, %parallel_loop3A_56] : memref<1000000x64xf32, #tpu.memory_space<hbm>> -> memref<1x64xf32, #tpu.memory_space<hbm>>
        %parallel_loop3A_58 = tpu.memref_squeeze %parallel_loop3A_57 : memref<1x64xf32, #tpu.memory_space<hbm>> -> memref<64xf32, #tpu.memory_space<hbm>>
        %parallel_loop3A_59 = arith.constant 0 : i32
        %parallel_loop3A_60 = tpu.memref_slice %arg16[%parallel_loop3A_38, %parallel_loop3A_59] : memref<64x64xf32, #tpu.memory_space<vmem>> -> memref<1x64xf32, #tpu.memory_space<vmem>>
        %parallel_loop3A_61 = tpu.memref_squeeze %parallel_loop3A_60 : memref<1x64xf32, #tpu.memory_space<vmem>> -> memref<64xf32, #tpu.memory_space<vmem>>
        %parallel_loop3A_62 = arith.constant 0 : i32
        %parallel_loop3A_63 = tpu.memref_slice %arg4[%parallel_loop3A_45, %parallel_loop3A_62] : memref<1000000x64xf32, #tpu.memory_space<hbm>> -> memref<1x64xf32, #tpu.memory_space<hbm>>
        %parallel_loop3A_64 = tpu.memref_squeeze %parallel_loop3A_63 : memref<1x64xf32, #tpu.memory_space<hbm>> -> memref<64xf32, #tpu.memory_space<hbm>>
        tpu.enqueue_dma source(%parallel_loop3A_64 : memref<64xf32, #tpu.memory_space<hbm>>) target(%parallel_loop3A_61 : memref<64xf32, #tpu.memory_space<vmem>>) target_semaphore(%arg20 : memref<!tpu.dma_semaphore, #tpu.memory_space<semaphore_mem>>)
        %parallel_loop3A_65 = arith.constant 0 : i32
        %parallel_loop3A_66 = tpu.memref_slice %arg17[%parallel_loop3A_38, %parallel_loop3A_65] : memref<64x64xf32, #tpu.memory_space<vmem>> -> memref<1x64xf32, #tpu.memory_space<vmem>>
        %parallel_loop3A_67 = tpu.memref_squeeze %parallel_loop3A_66 : memref<1x64xf32, #tpu.memory_space<vmem>> -> memref<64xf32, #tpu.memory_space<vmem>>
        %parallel_loop3A_68 = arith.constant 0 : i32
        %parallel_loop3A_69 = tpu.memref_slice %arg5[%parallel_loop3A_52, %parallel_loop3A_68] : memref<1000000x64xf32, #tpu.memory_space<hbm>> -> memref<1x64xf32, #tpu.memory_space<hbm>>
        %parallel_loop3A_70 = tpu.memref_squeeze %parallel_loop3A_69 : memref<1x64xf32, #tpu.memory_space<hbm>> -> memref<64xf32, #tpu.memory_space<hbm>>
        %parallel_loop3A_71 = arith.constant 0 : i32
        %parallel_loop3A_72 = tpu.memref_slice %arg17[%parallel_loop3A_38, %parallel_loop3A_71] : memref<64x64xf32, #tpu.memory_space<vmem>> -> memref<1x64xf32, #tpu.memory_space<vmem>>
        %parallel_loop3A_73 = tpu.memref_squeeze %parallel_loop3A_72 : memref<1x64xf32, #tpu.memory_space<vmem>> -> memref<64xf32, #tpu.memory_space<vmem>>
        %parallel_loop3A_74 = arith.constant 0 : i32
        %parallel_loop3A_75 = tpu.memref_slice %arg5[%parallel_loop3A_52, %parallel_loop3A_74] : memref<1000000x64xf32, #tpu.memory_space<hbm>> -> memref<1x64xf32, #tpu.memory_space<hbm>>
        %parallel_loop3A_76 = tpu.memref_squeeze %parallel_loop3A_75 : memref<1x64xf32, #tpu.memory_space<hbm>> -> memref<64xf32, #tpu.memory_space<hbm>>
        tpu.enqueue_dma source(%parallel_loop3A_76 : memref<64xf32, #tpu.memory_space<hbm>>) target(%parallel_loop3A_73 : memref<64xf32, #tpu.memory_space<vmem>>) target_semaphore(%arg21 : memref<!tpu.dma_semaphore, #tpu.memory_space<semaphore_mem>>)
        %parallel_loop3A_77 = arith.constant 0 : i32
        %parallel_loop3A_78 = tpu.memref_slice %arg18[%parallel_loop3A_38, %parallel_loop3A_77] : memref<64x64xf32, #tpu.memory_space<vmem>> -> memref<1x64xf32, #tpu.memory_space<vmem>>
        %parallel_loop3A_79 = tpu.memref_squeeze %parallel_loop3A_78 : memref<1x64xf32, #tpu.memory_space<vmem>> -> memref<64xf32, #tpu.memory_space<vmem>>
        %parallel_loop3A_80 = arith.constant 0 : i32
        %parallel_loop3A_81 = tpu.memref_slice %arg6[%parallel_loop3A_45, %parallel_loop3A_80] : memref<1000000x64xf32, #tpu.memory_space<hbm>> -> memref<1x64xf32, #tpu.memory_space<hbm>>
        %parallel_loop3A_82 = tpu.memref_squeeze %parallel_loop3A_81 : memref<1x64xf32, #tpu.memory_space<hbm>> -> memref<64xf32, #tpu.memory_space<hbm>>
        %parallel_loop3A_83 = arith.constant 0 : i32
        %parallel_loop3A_84 = tpu.memref_slice %arg18[%parallel_loop3A_38, %parallel_loop3A_83] : memref<64x64xf32, #tpu.memory_space<vmem>> -> memref<1x64xf32, #tpu.memory_space<vmem>>
        %parallel_loop3A_85 = tpu.memref_squeeze %parallel_loop3A_84 : memref<1x64xf32, #tpu.memory_space<vmem>> -> memref<64xf32, #tpu.memory_space<vmem>>
        %parallel_loop3A_86 = arith.constant 0 : i32
        %parallel_loop3A_87 = tpu.memref_slice %arg6[%parallel_loop3A_45, %parallel_loop3A_86] : memref<1000000x64xf32, #tpu.memory_space<hbm>> -> memref<1x64xf32, #tpu.memory_space<hbm>>
        %parallel_loop3A_88 = tpu.memref_squeeze %parallel_loop3A_87 : memref<1x64xf32, #tpu.memory_space<hbm>> -> memref<64xf32, #tpu.memory_space<hbm>>
        tpu.enqueue_dma source(%parallel_loop3A_88 : memref<64xf32, #tpu.memory_space<hbm>>) target(%parallel_loop3A_85 : memref<64xf32, #tpu.memory_space<vmem>>) target_semaphore(%arg22 : memref<!tpu.dma_semaphore, #tpu.memory_space<semaphore_mem>>)
        %parallel_loop3A_89 = arith.constant 0 : i32
        %parallel_loop3A_90 = tpu.memref_slice %arg19[%parallel_loop3A_38, %parallel_loop3A_89] : memref<64x64xf32, #tpu.memory_space<vmem>> -> memref<1x64xf32, #tpu.memory_space<vmem>>
        %parallel_loop3A_91 = tpu.memref_squeeze %parallel_loop3A_90 : memref<1x64xf32, #tpu.memory_space<vmem>> -> memref<64xf32, #tpu.memory_space<vmem>>
        %parallel_loop3A_92 = arith.constant 0 : i32
        %parallel_loop3A_93 = tpu.memref_slice %arg7[%parallel_loop3A_52, %parallel_loop3A_92] : memref<1000000x64xf32, #tpu.memory_space<hbm>> -> memref<1x64xf32, #tpu.memory_space<hbm>>
        %parallel_loop3A_94 = tpu.memref_squeeze %parallel_loop3A_93 : memref<1x64xf32, #tpu.memory_space<hbm>> -> memref<64xf32, #tpu.memory_space<hbm>>
        %parallel_loop3A_95 = arith.constant 0 : i32
        %parallel_loop3A_96 = tpu.memref_slice %arg19[%parallel_loop3A_38, %parallel_loop3A_95] : memref<64x64xf32, #tpu.memory_space<vmem>> -> memref<1x64xf32, #tpu.memory_space<vmem>>
        %parallel_loop3A_97 = tpu.memref_squeeze %parallel_loop3A_96 : memref<1x64xf32, #tpu.memory_space<vmem>> -> memref<64xf32, #tpu.memory_space<vmem>>
        %parallel_loop3A_98 = arith.constant 0 : i32
        %parallel_loop3A_99 = tpu.memref_slice %arg7[%parallel_loop3A_52, %parallel_loop3A_98] : memref<1000000x64xf32, #tpu.memory_space<hbm>> -> memref<1x64xf32, #tpu.memory_space<hbm>>
        %parallel_loop3A_100 = tpu.memref_squeeze %parallel_loop3A_99 : memref<1x64xf32, #tpu.memory_space<hbm>> -> memref<64xf32, #tpu.memory_space<hbm>>
        tpu.enqueue_dma source(%parallel_loop3A_100 : memref<64xf32, #tpu.memory_space<hbm>>) target(%parallel_loop3A_97 : memref<64xf32, #tpu.memory_space<vmem>>) target_semaphore(%arg23 : memref<!tpu.dma_semaphore, #tpu.memory_space<semaphore_mem>>)
      } {sc.loop_unroll_factor = 8 : i64, sc.parallel_access}
      %dma_wait3A = arith.constant 0 : i32
      %dma_wait3A_14 = arith.constant 0 : i32
      %dma_wait3A_15 = tpu.memref_slice %arg4[%dma_wait3A, %dma_wait3A_14] : memref<1000000x64xf32, #tpu.memory_space<hbm>> -> memref<64x64xf32, #tpu.memory_space<hbm>>
      %dma_wait3A_16 = arith.constant 0 : i32
      %dma_wait3A_17 = arith.constant 0 : i32
      %dma_wait3A_18 = tpu.memref_slice %arg4[%dma_wait3A_16, %dma_wait3A_17] : memref<1000000x64xf32, #tpu.memory_space<hbm>> -> memref<64x64xf32, #tpu.memory_space<hbm>>
      tpu.wait_dma2 semaphore(%arg20 : memref<!tpu.dma_semaphore, #tpu.memory_space<semaphore_mem>>) src(%dma_wait3A_18 : memref<64x64xf32, #tpu.memory_space<hbm>>) dst(%arg16 : memref<64x64xf32, #tpu.memory_space<vmem>>)
      %dma_wait3A_19 = arith.constant 0 : i32
      %dma_wait3A_20 = arith.constant 0 : i32
      %dma_wait3A_21 = tpu.memref_slice %arg5[%dma_wait3A_19, %dma_wait3A_20] : memref<1000000x64xf32, #tpu.memory_space<hbm>> -> memref<64x64xf32, #tpu.memory_space<hbm>>
      %dma_wait3A_22 = arith.constant 0 : i32
      %dma_wait3A_23 = arith.constant 0 : i32
      %dma_wait3A_24 = tpu.memref_slice %arg5[%dma_wait3A_22, %dma_wait3A_23] : memref<1000000x64xf32, #tpu.memory_space<hbm>> -> memref<64x64xf32, #tpu.memory_space<hbm>>
      tpu.wait_dma2 semaphore(%arg21 : memref<!tpu.dma_semaphore, #tpu.memory_space<semaphore_mem>>) src(%dma_wait3A_24 : memref<64x64xf32, #tpu.memory_space<hbm>>) dst(%arg17 : memref<64x64xf32, #tpu.memory_space<vmem>>)
      %dma_wait3A_25 = arith.constant 0 : i32
      %dma_wait3A_26 = arith.constant 0 : i32
      %dma_wait3A_27 = tpu.memref_slice %arg6[%dma_wait3A_25, %dma_wait3A_26] : memref<1000000x64xf32, #tpu.memory_space<hbm>> -> memref<64x64xf32, #tpu.memory_space<hbm>>
      %dma_wait3A_28 = arith.constant 0 : i32
      %dma_wait3A_29 = arith.constant 0 : i32
      %dma_wait3A_30 = tpu.memref_slice %arg6[%dma_wait3A_28, %dma_wait3A_29] : memref<1000000x64xf32, #tpu.memory_space<hbm>> -> memref<64x64xf32, #tpu.memory_space<hbm>>
      tpu.wait_dma2 semaphore(%arg22 : memref<!tpu.dma_semaphore, #tpu.memory_space<semaphore_mem>>) src(%dma_wait3A_30 : memref<64x64xf32, #tpu.memory_space<hbm>>) dst(%arg18 : memref<64x64xf32, #tpu.memory_space<vmem>>)
      %dma_wait3A_31 = arith.constant 0 : i32
      %dma_wait3A_32 = arith.constant 0 : i32
      %dma_wait3A_33 = tpu.memref_slice %arg7[%dma_wait3A_31, %dma_wait3A_32] : memref<1000000x64xf32, #tpu.memory_space<hbm>> -> memref<64x64xf32, #tpu.memory_space<hbm>>
      %dma_wait3A_34 = arith.constant 0 : i32
      %dma_wait3A_35 = arith.constant 0 : i32
      %dma_wait3A_36 = tpu.memref_slice %arg7[%dma_wait3A_34, %dma_wait3A_35] : memref<1000000x64xf32, #tpu.memory_space<hbm>> -> memref<64x64xf32, #tpu.memory_space<hbm>>
      tpu.wait_dma2 semaphore(%arg23 : memref<!tpu.dma_semaphore, #tpu.memory_space<semaphore_mem>>) src(%dma_wait3A_36 : memref<64x64xf32, #tpu.memory_space<hbm>>) dst(%arg19 : memref<64x64xf32, #tpu.memory_space<vmem>>)
      %add3A_37 = arith.addi %mul3A_2, %add3A_11 : i32
      "tpu.region"() ({
        %run_scoped3A = tpu.sem_alloc : memref<!tpu.dma_semaphore, #tpu.memory_space<semaphore_mem>>
        %dma_start3A = arith.constant 0 : i32
        %dma_start3A_38 = tpu.memref_slice %arg8[%add3A_37, %dma_start3A] : memref<16384x64xf32, #tpu.memory_space<hbm>> -> memref<64x64xf32, #tpu.memory_space<hbm>>
        %dma_start3A_39 = arith.constant 0 : i32
        %dma_start3A_40 = tpu.memref_slice %arg8[%add3A_37, %dma_start3A_39] : memref<16384x64xf32, #tpu.memory_space<hbm>> -> memref<64x64xf32, #tpu.memory_space<hbm>>
        tpu.enqueue_dma source(%arg16 : memref<64x64xf32, #tpu.memory_space<vmem>>) target(%dma_start3A_40 : memref<64x64xf32, #tpu.memory_space<hbm>>) target_semaphore(%run_scoped3A : memref<!tpu.dma_semaphore, #tpu.memory_space<semaphore_mem>>)
        %dma_wait3A_41 = arith.constant 0 : i32
        %dma_wait3A_42 = tpu.memref_slice %arg8[%add3A_37, %dma_wait3A_41] : memref<16384x64xf32, #tpu.memory_space<hbm>> -> memref<64x64xf32, #tpu.memory_space<hbm>>
        %dma_wait3A_43 = arith.constant 0 : i32
        %dma_wait3A_44 = tpu.memref_slice %arg8[%add3A_37, %dma_wait3A_43] : memref<16384x64xf32, #tpu.memory_space<hbm>> -> memref<64x64xf32, #tpu.memory_space<hbm>>
        tpu.wait_dma2 semaphore(%run_scoped3A : memref<!tpu.dma_semaphore, #tpu.memory_space<semaphore_mem>>) src(%arg16 : memref<64x64xf32, #tpu.memory_space<vmem>>) dst(%dma_wait3A_44 : memref<64x64xf32, #tpu.memory_space<hbm>>)
        tpu.yield
      }) : () -> ()
      "tpu.region"() ({
        %run_scoped3A = tpu.sem_alloc : memref<!tpu.dma_semaphore, #tpu.memory_space<semaphore_mem>>
        %dma_start3A = arith.constant 0 : i32
        %dma_start3A_38 = tpu.memref_slice %arg9[%add3A_37, %dma_start3A] : memref<16384x64xf32, #tpu.memory_space<hbm>> -> memref<64x64xf32, #tpu.memory_space<hbm>>
        %dma_start3A_39 = arith.constant 0 : i32
        %dma_start3A_40 = tpu.memref_slice %arg9[%add3A_37, %dma_start3A_39] : memref<16384x64xf32, #tpu.memory_space<hbm>> -> memref<64x64xf32, #tpu.memory_space<hbm>>
        tpu.enqueue_dma source(%arg17 : memref<64x64xf32, #tpu.memory_space<vmem>>) target(%dma_start3A_40 : memref<64x64xf32, #tpu.memory_space<hbm>>) target_semaphore(%run_scoped3A : memref<!tpu.dma_semaphore, #tpu.memory_space<semaphore_mem>>)
        %dma_wait3A_41 = arith.constant 0 : i32
        %dma_wait3A_42 = tpu.memref_slice %arg9[%add3A_37, %dma_wait3A_41] : memref<16384x64xf32, #tpu.memory_space<hbm>> -> memref<64x64xf32, #tpu.memory_space<hbm>>
        %dma_wait3A_43 = arith.constant 0 : i32
        %dma_wait3A_44 = tpu.memref_slice %arg9[%add3A_37, %dma_wait3A_43] : memref<16384x64xf32, #tpu.memory_space<hbm>> -> memref<64x64xf32, #tpu.memory_space<hbm>>
        tpu.wait_dma2 semaphore(%run_scoped3A : memref<!tpu.dma_semaphore, #tpu.memory_space<semaphore_mem>>) src(%arg17 : memref<64x64xf32, #tpu.memory_space<vmem>>) dst(%dma_wait3A_44 : memref<64x64xf32, #tpu.memory_space<hbm>>)
        tpu.yield
      }) : () -> ()
      "tpu.region"() ({
        %run_scoped3A = tpu.sem_alloc : memref<!tpu.dma_semaphore, #tpu.memory_space<semaphore_mem>>
        %dma_start3A = arith.constant 0 : i32
        %dma_start3A_38 = tpu.memref_slice %arg10[%add3A_37, %dma_start3A] : memref<16384x64xf32, #tpu.memory_space<hbm>> -> memref<64x64xf32, #tpu.memory_space<hbm>>
        %dma_start3A_39 = arith.constant 0 : i32
        %dma_start3A_40 = tpu.memref_slice %arg10[%add3A_37, %dma_start3A_39] : memref<16384x64xf32, #tpu.memory_space<hbm>> -> memref<64x64xf32, #tpu.memory_space<hbm>>
        tpu.enqueue_dma source(%arg18 : memref<64x64xf32, #tpu.memory_space<vmem>>) target(%dma_start3A_40 : memref<64x64xf32, #tpu.memory_space<hbm>>) target_semaphore(%run_scoped3A : memref<!tpu.dma_semaphore, #tpu.memory_space<semaphore_mem>>)
        %dma_wait3A_41 = arith.constant 0 : i32
        %dma_wait3A_42 = tpu.memref_slice %arg10[%add3A_37, %dma_wait3A_41] : memref<16384x64xf32, #tpu.memory_space<hbm>> -> memref<64x64xf32, #tpu.memory_space<hbm>>
        %dma_wait3A_43 = arith.constant 0 : i32
        %dma_wait3A_44 = tpu.memref_slice %arg10[%add3A_37, %dma_wait3A_43] : memref<16384x64xf32, #tpu.memory_space<hbm>> -> memref<64x64xf32, #tpu.memory_space<hbm>>
        tpu.wait_dma2 semaphore(%run_scoped3A : memref<!tpu.dma_semaphore, #tpu.memory_space<semaphore_mem>>) src(%arg18 : memref<64x64xf32, #tpu.memory_space<vmem>>) dst(%dma_wait3A_44 : memref<64x64xf32, #tpu.memory_space<hbm>>)
        tpu.yield
      }) : () -> ()
      "tpu.region"() ({
        %run_scoped3A = tpu.sem_alloc : memref<!tpu.dma_semaphore, #tpu.memory_space<semaphore_mem>>
        %dma_start3A = arith.constant 0 : i32
        %dma_start3A_38 = tpu.memref_slice %arg11[%add3A_37, %dma_start3A] : memref<16384x64xf32, #tpu.memory_space<hbm>> -> memref<64x64xf32, #tpu.memory_space<hbm>>
        %dma_start3A_39 = arith.constant 0 : i32
        %dma_start3A_40 = tpu.memref_slice %arg11[%add3A_37, %dma_start3A_39] : memref<16384x64xf32, #tpu.memory_space<hbm>> -> memref<64x64xf32, #tpu.memory_space<hbm>>
        tpu.enqueue_dma source(%arg19 : memref<64x64xf32, #tpu.memory_space<vmem>>) target(%dma_start3A_40 : memref<64x64xf32, #tpu.memory_space<hbm>>) target_semaphore(%run_scoped3A : memref<!tpu.dma_semaphore, #tpu.memory_space<semaphore_mem>>)
        %dma_wait3A_41 = arith.constant 0 : i32
        %dma_wait3A_42 = tpu.memref_slice %arg11[%add3A_37, %dma_wait3A_41] : memref<16384x64xf32, #tpu.memory_space<hbm>> -> memref<64x64xf32, #tpu.memory_space<hbm>>
        %dma_wait3A_43 = arith.constant 0 : i32
        %dma_wait3A_44 = tpu.memref_slice %arg11[%add3A_37, %dma_wait3A_43] : memref<16384x64xf32, #tpu.memory_space<hbm>> -> memref<64x64xf32, #tpu.memory_space<hbm>>
        tpu.wait_dma2 semaphore(%run_scoped3A : memref<!tpu.dma_semaphore, #tpu.memory_space<semaphore_mem>>) src(%arg19 : memref<64x64xf32, #tpu.memory_space<vmem>>) dst(%dma_wait3A_44 : memref<64x64xf32, #tpu.memory_space<hbm>>)
        tpu.yield
      }) : () -> ()
    }
    %scan3A_6 = arith.constant 8 : i32
    return
  }
}

module attributes {stable_mosaic.version = 14 : i64} {
  func.func @_tc_body(%arg0: i32, %arg1: memref<2048x64xf32, #tpu.memory_space<vmem>>, %arg2: memref<2048x64xf32, #tpu.memory_space<vmem>>, %arg3: memref<2048x64xf32, #tpu.memory_space<vmem>>, %arg4: memref<2048x64xf32, #tpu.memory_space<vmem>>, %arg5: memref<64x64xf32, #tpu.memory_space<vmem>>, %arg6: memref<64x64xf32, #tpu.memory_space<vmem>>, %arg7: memref<1x64xf32, #tpu.memory_space<vmem>>, %arg8: memref<64x32xf32, #tpu.memory_space<vmem>>, %arg9: memref<1x32xf32, #tpu.memory_space<vmem>>, %arg10: memref<32x16xf32, #tpu.memory_space<vmem>>, %arg11: memref<1x16xf32, #tpu.memory_space<vmem>>, %arg12: memref<1x64xf32, #tpu.memory_space<vmem>>, %arg13: memref<1x16xf32, #tpu.memory_space<vmem>>, %arg14: memref<1x1xf32, #tpu.memory_space<vmem>>, %arg15: memref<2048x1xf32, #tpu.memory_space<vmem>>) attributes {dimension_semantics = [#tpu.dimension_semantics<arbitrary>], iteration_bounds = array<i64: 8>, scalar_prefetch = 0 : i64, scratch_operands = 0 : i64, tpu.core_type = #tpu.core_type<tc>, window_params = [{transform_indices = @transform_0, window_bounds = array<i64: 2048, 64>}, {transform_indices = @transform_1, window_bounds = array<i64: 2048, 64>}, {transform_indices = @transform_2, window_bounds = array<i64: 2048, 64>}, {transform_indices = @transform_3, window_bounds = array<i64: 2048, 64>}, {pipeline_mode = #tpu.pipeline_mode<synchronous>, transform_indices = @transform_4, window_bounds = array<i64: 64, 64>}, {pipeline_mode = #tpu.pipeline_mode<synchronous>, transform_indices = @transform_5, window_bounds = array<i64: 64, 64>}, {pipeline_mode = #tpu.pipeline_mode<synchronous>, transform_indices = @transform_6, window_bounds = array<i64: 1, 64>}, {pipeline_mode = #tpu.pipeline_mode<synchronous>, transform_indices = @transform_7, window_bounds = array<i64: 64, 32>}, {pipeline_mode = #tpu.pipeline_mode<synchronous>, transform_indices = @transform_8, window_bounds = array<i64: 1, 32>}, {pipeline_mode = #tpu.pipeline_mode<synchronous>, transform_indices = @transform_9, window_bounds = array<i64: 32, 16>}, {pipeline_mode = #tpu.pipeline_mode<synchronous>, transform_indices = @transform_10, window_bounds = array<i64: 1, 16>}, {pipeline_mode = #tpu.pipeline_mode<synchronous>, transform_indices = @transform_11, window_bounds = array<i64: 1, 64>}, {pipeline_mode = #tpu.pipeline_mode<synchronous>, transform_indices = @transform_12, window_bounds = array<i64: 1, 16>}, {pipeline_mode = #tpu.pipeline_mode<synchronous>, transform_indices = @transform_13, window_bounds = array<i64: 1, 1>}, {transform_indices = @transform_14, window_bounds = array<i64: 2048, 1>}]} {
    %get3A = arith.constant 0 : index
    %get3A_0 = arith.constant 0 : index
    %get3A_1 = vector.load %arg1[%get3A, %get3A_0] : memref<2048x64xf32, #tpu.memory_space<vmem>>, vector<2048x64xf32>
    %get3A_2 = arith.constant 0 : index
    %get3A_3 = arith.constant 0 : index
    %get3A_4 = vector.load %arg2[%get3A_2, %get3A_3] : memref<2048x64xf32, #tpu.memory_space<vmem>>, vector<2048x64xf32>
    %mul3A = arith.mulf %get3A_1, %get3A_4 : vector<2048x64xf32>
    %get3A_5 = arith.constant 0 : index
    %get3A_6 = arith.constant 0 : index
    %get3A_7 = vector.load %arg3[%get3A_5, %get3A_6] : memref<2048x64xf32, #tpu.memory_space<vmem>>, vector<2048x64xf32>
    %get3A_8 = arith.constant 0 : index
    %get3A_9 = arith.constant 0 : index
    %get3A_10 = vector.load %arg5[%get3A_8, %get3A_9] : memref<64x64xf32, #tpu.memory_space<vmem>>, vector<64x64xf32>
    %dot_general3A = arith.constant dense<0.000000e+00> : vector<2048x64xf32>
    %dot_general3A_11 = tpu.matmul %get3A_7, %get3A_10, %dot_general3A {dimension_numbers = #tpu.dot_dimension_numbers<[1], [0], [0], [1], [0, 0, 1, 1], [], []>, transpose_lhs_hint = false} : vector<2048x64xf32>, vector<64x64xf32>, vector<2048x64xf32> -> vector<2048x64xf32>
    %get3A_12 = arith.constant 0 : index
    %get3A_13 = arith.constant 0 : index
    %get3A_14 = vector.load %arg4[%get3A_12, %get3A_13] : memref<2048x64xf32, #tpu.memory_space<vmem>>, vector<2048x64xf32>
    %get3A_15 = arith.constant 0 : index
    %get3A_16 = arith.constant 0 : index
    %get3A_17 = vector.load %arg6[%get3A_15, %get3A_16] : memref<64x64xf32, #tpu.memory_space<vmem>>, vector<64x64xf32>
    %dot_general3A_18 = arith.constant dense<0.000000e+00> : vector<2048x64xf32>
    %dot_general3A_19 = tpu.matmul %get3A_14, %get3A_17, %dot_general3A_18 {dimension_numbers = #tpu.dot_dimension_numbers<[1], [0], [0], [1], [0, 0, 1, 1], [], []>, transpose_lhs_hint = false} : vector<2048x64xf32>, vector<64x64xf32>, vector<2048x64xf32> -> vector<2048x64xf32>
    %add3A = arith.addf %dot_general3A_11, %dot_general3A_19 : vector<2048x64xf32>
    %get3A_20 = arith.constant 0 : index
    %get3A_21 = arith.constant 0 : index
    %get3A_22 = vector.load %arg7[%get3A_20, %get3A_21] : memref<1x64xf32, #tpu.memory_space<vmem>>, vector<1x64xf32>
    %add3A_23 = vector.broadcast %get3A_22 : vector<1x64xf32> to vector<2048x64xf32>
    %add3A_24 = arith.addf %add3A, %add3A_23 : vector<2048x64xf32>
    %max3A = arith.constant 0.000000e+00 : f32
    %max3A_25 = vector.broadcast %max3A : f32 to vector<2048x64xf32>
    %max3A_26 = arith.maximumf %add3A_24, %max3A_25 : vector<2048x64xf32>
    %get3A_27 = arith.constant 0 : index
    %get3A_28 = arith.constant 0 : index
    %get3A_29 = vector.load %arg8[%get3A_27, %get3A_28] : memref<64x32xf32, #tpu.memory_space<vmem>>, vector<64x32xf32>
    %dot_general3A_30 = arith.constant dense<0.000000e+00> : vector<2048x32xf32>
    %dot_general3A_31 = tpu.matmul %max3A_26, %get3A_29, %dot_general3A_30 {dimension_numbers = #tpu.dot_dimension_numbers<[1], [0], [0], [1], [0, 0, 1, 1], [], []>, transpose_lhs_hint = false} : vector<2048x64xf32>, vector<64x32xf32>, vector<2048x32xf32> -> vector<2048x32xf32>
    %get3A_32 = arith.constant 0 : index
    %get3A_33 = arith.constant 0 : index
    %get3A_34 = vector.load %arg9[%get3A_32, %get3A_33] : memref<1x32xf32, #tpu.memory_space<vmem>>, vector<1x32xf32>
    %add3A_35 = vector.broadcast %get3A_34 : vector<1x32xf32> to vector<2048x32xf32>
    %add3A_36 = arith.addf %dot_general3A_31, %add3A_35 : vector<2048x32xf32>
    %max3A_37 = arith.constant 0.000000e+00 : f32
    %max3A_38 = vector.broadcast %max3A_37 : f32 to vector<2048x32xf32>
    %max3A_39 = arith.maximumf %add3A_36, %max3A_38 : vector<2048x32xf32>
    %get3A_40 = arith.constant 0 : index
    %get3A_41 = arith.constant 0 : index
    %get3A_42 = vector.load %arg10[%get3A_40, %get3A_41] : memref<32x16xf32, #tpu.memory_space<vmem>>, vector<32x16xf32>
    %dot_general3A_43 = arith.constant dense<0.000000e+00> : vector<2048x16xf32>
    %dot_general3A_44 = tpu.matmul %max3A_39, %get3A_42, %dot_general3A_43 {dimension_numbers = #tpu.dot_dimension_numbers<[1], [0], [0], [1], [0, 0, 1, 1], [], []>, transpose_lhs_hint = false} : vector<2048x32xf32>, vector<32x16xf32>, vector<2048x16xf32> -> vector<2048x16xf32>
    %get3A_45 = arith.constant 0 : index
    %get3A_46 = arith.constant 0 : index
    %get3A_47 = vector.load %arg11[%get3A_45, %get3A_46] : memref<1x16xf32, #tpu.memory_space<vmem>>, vector<1x16xf32>
    %add3A_48 = vector.broadcast %get3A_47 : vector<1x16xf32> to vector<2048x16xf32>
    %add3A_49 = arith.addf %dot_general3A_44, %add3A_48 : vector<2048x16xf32>
    %max3A_50 = arith.constant 0.000000e+00 : f32
    %max3A_51 = vector.broadcast %max3A_50 : f32 to vector<2048x16xf32>
    %max3A_52 = arith.maximumf %add3A_49, %max3A_51 : vector<2048x16xf32>
    %get3A_53 = arith.constant 0 : index
    %get3A_54 = arith.constant 0 : index
    %get3A_55 = vector.load %arg12[%get3A_53, %get3A_54] : memref<1x64xf32, #tpu.memory_space<vmem>>, vector<1x64xf32>
    %mul3A_56 = vector.broadcast %get3A_55 : vector<1x64xf32> to vector<2048x64xf32>
    %mul3A_57 = arith.mulf %mul3A, %mul3A_56 : vector<2048x64xf32>
    %reduce_sum3A = arith.constant dense<0.000000e+00> : vector<2048xf32>
    %reduce_sum3A_58 = vector.multi_reduction <add>, %mul3A_57, %reduce_sum3A [1] : vector<2048x64xf32> to vector<2048xf32>
    %broadcast_in_dim3A = vector.shape_cast %reduce_sum3A_58 : vector<2048xf32> to vector<2048x1xf32>
    %get3A_59 = arith.constant 0 : index
    %get3A_60 = arith.constant 0 : index
    %get3A_61 = vector.load %arg13[%get3A_59, %get3A_60] : memref<1x16xf32, #tpu.memory_space<vmem>>, vector<1x16xf32>
    %mul3A_62 = vector.broadcast %get3A_61 : vector<1x16xf32> to vector<2048x16xf32>
    %mul3A_63 = arith.mulf %max3A_52, %mul3A_62 : vector<2048x16xf32>
    %reduce_sum3A_64 = arith.constant dense<0.000000e+00> : vector<2048xf32>
    %reduce_sum3A_65 = vector.multi_reduction <add>, %mul3A_63, %reduce_sum3A_64 [1] : vector<2048x16xf32> to vector<2048xf32>
    %broadcast_in_dim3A_66 = vector.shape_cast %reduce_sum3A_65 : vector<2048xf32> to vector<2048x1xf32>
    %add3A_67 = arith.addf %broadcast_in_dim3A, %broadcast_in_dim3A_66 : vector<2048x1xf32>
    %get3A_68 = arith.constant 0 : index
    %get3A_69 = arith.constant 0 : index
    %get3A_70 = vector.load %arg14[%get3A_68, %get3A_69] : memref<1x1xf32, #tpu.memory_space<vmem>>, vector<1x1xf32>
    %get3A_71 = vector.extract %get3A_70[0, 0] : f32 from vector<1x1xf32>
    %add3A_72 = vector.broadcast %get3A_71 : f32 to vector<2048x1xf32>
    %add3A_73 = arith.addf %add3A_67, %add3A_72 : vector<2048x1xf32>
    %logistic3A = arith.negf %add3A_73 : vector<2048x1xf32>
    %logistic3A_74 = math.exp %logistic3A : vector<2048x1xf32>
    %logistic3A_75 = arith.constant 1.000000e+00 : f32
    %logistic3A_76 = vector.broadcast %logistic3A_75 : f32 to vector<2048x1xf32>
    %logistic3A_77 = arith.addf %logistic3A_76, %logistic3A_74 : vector<2048x1xf32>
    %logistic3A_78 = arith.divf %logistic3A_76, %logistic3A_77 : vector<2048x1xf32>
    %mul3A_79 = arith.constant 5.000000e+00 : f32
    %mul3A_80 = vector.broadcast %mul3A_79 : f32 to vector<2048x1xf32>
    %mul3A_81 = arith.mulf %logistic3A_78, %mul3A_80 : vector<2048x1xf32>
    %swap3A = arith.constant 0 : index
    %swap3A_82 = arith.constant 0 : index
    %swap3A_83 = vector.load %arg15[%swap3A, %swap3A_82] : memref<2048x1xf32, #tpu.memory_space<vmem>>, vector<2048x1xf32>
    tpu.vector_store %arg15[%swap3A, %swap3A_82], %mul3A_81 {strides = array<i32>} : memref<2048x1xf32, #tpu.memory_space<vmem>>, vector<2048x1xf32>,
    return
  }
  func.func @transform_0(%arg0: i32) -> (i32, i32) {
    %c0_i32 = arith.constant 0 : i32
    %c0_i32_0 = arith.constant 0 : i32
    return %arg0, %c0_i32 : i32, i32
  }
  func.func @transform_1(%arg0: i32) -> (i32, i32) {
    %c0_i32 = arith.constant 0 : i32
    %c0_i32_0 = arith.constant 0 : i32
    return %arg0, %c0_i32 : i32, i32
  }
  func.func @transform_2(%arg0: i32) -> (i32, i32) {
    %c0_i32 = arith.constant 0 : i32
    %c0_i32_0 = arith.constant 0 : i32
    return %arg0, %c0_i32 : i32, i32
  }
  func.func @transform_3(%arg0: i32) -> (i32, i32) {
    %c0_i32 = arith.constant 0 : i32
    %c0_i32_0 = arith.constant 0 : i32
    return %arg0, %c0_i32 : i32, i32
  }
  func.func @transform_4(%arg0: i32) -> (i32, i32) {
    %c0_i32 = arith.constant 0 : i32
    %c0_i32_0 = arith.constant 0 : i32
    %c0_i32_1 = arith.constant 0 : i32
    return %c0_i32, %c0_i32_0 : i32, i32
  }
  func.func @transform_5(%arg0: i32) -> (i32, i32) {
    %c0_i32 = arith.constant 0 : i32
    %c0_i32_0 = arith.constant 0 : i32
    %c0_i32_1 = arith.constant 0 : i32
    return %c0_i32, %c0_i32_0 : i32, i32
  }
  func.func @transform_6(%arg0: i32) -> (i32, i32) {
    %c0_i32 = arith.constant 0 : i32
    %c0_i32_0 = arith.constant 0 : i32
    %c0_i32_1 = arith.constant 0 : i32
    return %c0_i32, %c0_i32_0 : i32, i32
  }
  func.func @transform_7(%arg0: i32) -> (i32, i32) {
    %c0_i32 = arith.constant 0 : i32
    %c0_i32_0 = arith.constant 0 : i32
    %c0_i32_1 = arith.constant 0 : i32
    return %c0_i32, %c0_i32_0 : i32, i32
  }
  func.func @transform_8(%arg0: i32) -> (i32, i32) {
    %c0_i32 = arith.constant 0 : i32
    %c0_i32_0 = arith.constant 0 : i32
    %c0_i32_1 = arith.constant 0 : i32
    return %c0_i32, %c0_i32_0 : i32, i32
  }
  func.func @transform_9(%arg0: i32) -> (i32, i32) {
    %c0_i32 = arith.constant 0 : i32
    %c0_i32_0 = arith.constant 0 : i32
    %c0_i32_1 = arith.constant 0 : i32
    return %c0_i32, %c0_i32_0 : i32, i32
  }
  func.func @transform_10(%arg0: i32) -> (i32, i32) {
    %c0_i32 = arith.constant 0 : i32
    %c0_i32_0 = arith.constant 0 : i32
    %c0_i32_1 = arith.constant 0 : i32
    return %c0_i32, %c0_i32_0 : i32, i32
  }
  func.func @transform_11(%arg0: i32) -> (i32, i32) {
    %c0_i32 = arith.constant 0 : i32
    %c0_i32_0 = arith.constant 0 : i32
    %c0_i32_1 = arith.constant 0 : i32
    return %c0_i32, %c0_i32_0 : i32, i32
  }
  func.func @transform_12(%arg0: i32) -> (i32, i32) {
    %c0_i32 = arith.constant 0 : i32
    %c0_i32_0 = arith.constant 0 : i32
    %c0_i32_1 = arith.constant 0 : i32
    return %c0_i32, %c0_i32_0 : i32, i32
  }
  func.func @transform_13(%arg0: i32) -> (i32, i32) {
    %c0_i32 = arith.constant 0 : i32
    %c0_i32_0 = arith.constant 0 : i32
    %c0_i32_1 = arith.constant 0 : i32
    return %c0_i32, %c0_i32_0 : i32, i32
  }
  func.func @transform_14(%arg0: i32) -> (i32, i32) {
    %c0_i32 = arith.constant 0 : i32
    %c0_i32_0 = arith.constant 0 : i32
    return %arg0, %c0_i32 : i32, i32
  }
}

</mosaic_0001>

<sc_bundles>
// kernel: kernel.4.cloned.1.call-start
scs
__scs_entry_jumppad:
0x0: {  	(pc) =	sbr.rel $0x88, $3  }
0x1: {  	(tag) =	ssettag $0x0;
	lr =	simm.s32 $0x1  }
0x2: {  	[smem:$0x3F93] =	sst lr;
	_ =	strace $0xD0000000  }
0x3: {  	_ = 	snop  }
0x4: {  	_ = 	snop  }
0x5: {  	_ = 	snop  }
0x6: {  	_ = 	snop  }
0x7: {  	_ = 	snop  }
__scs_overlays_trampoline_lowered:
0x8: {  	[smem:$0x3FA2] =	sst s0  }
0x9: {  	[smem:$0x3FA3] =	sst s1  }
0xa: {  	[smem:$0x3FA4] =	sst s2  }
0xb: {  	[smem:$0x3FA5] =	sst s3  }
0xc: {  	[smem:$0x3FA6] =	sst s4  }
0xd: {  	[smem:$0x3FA7] =	sst s5  }
0xe: {  	[smem:$0x3FA8] =	sst s6  }
0xf: {  	[smem:$0x3FA9] =	sst s7  }
0x10: {  	[smem:$0x3FAA] =	sst s8  }
0x11: {  	[smem:$0x3FAB] =	sst s9;
	s0 =	simm.s32 @!p0 $0x0  }
0x12: {  	s1 =	sld [smem:$0x3F91];
	s0 =	simm.s32 @p0 $0x1  }
0x13: {  	[smem:$0x3FAC] =	sst s0;
	s0 =	simm.s32 @!p1 $0x0  }
0x14: {  	s2 =	sld [smem:$0x3F90];
	s0 =	simm.s32 @p1 $0x1  }
0x15: {  	[smem:$0x3FAD] =	sst s0;
	s0 =	simm.s32 @!p2 $0x0  }
0x16: {  	s3 =	sld [smem:$0x3FDB];
	s0 =	simm.s32 @p2 $0x1  }
0x17: {  	s4 =	simm.s32 $0x1BF5;
	[smem:$0x3FAF] =	sst s0  }
0x18: {  	s0 =	sld [smem:$0x3F92];
	_ =	swait.ge [sflag:s4], $0x0  }
0x19: {  	s7 =	sld [smem:$0x3F93]  }
0x1a: {  	s8 =	sadd.s32 $0xFFFFE003, lr  }
0x1b: {  	s9 =	sadd.s32 $0xFFFFFEF7, lr;
	s5 =	simm.s32 $0xFFFFFFFF;
	p2 =	slt.u32 s8, $0xFFFFF086  }
0x1c: {  	p1 =	slt.u32 s9, $0xF7A;
	s5 =	simm.s32 @!p2 $0x0  }
0x1d: {  	s5 =	simm.s32 @p1 $0x1;
	p0 =	seq.s32 s7, s2  }
0x1e: {  	s7 =	smul.u32 @!p0 $0xF7A, s2;
	p2 =	seq.s32 @!p0 s5, $0x0  }
0x1f: {  	s9 =	smul.u32 $0xF7A, s1;
	s8 =	simm.s32 @!p0 $0x1BF5;
	p2 =	por !p2, p0  }
0x20: {  	[sflag:s8] =	ssyncset.s32 @!p0 $0xFFFFF086;
	s6 =	sadd.s32 @!p0 s3, s7;
	s7 =	simm.s32 @!p0 $0x108  }
0x21: {  	s3 =	sadd.s32 s3, s9;
	s6 =	sadd.s32 @!p0 $0x88, s6;
	s7 =	simm.s32 @p2 $0x1082  }
0x22: {  	[simem:s7], [sflag:s8] =	dma.local @!p0 [hbm:s6], $0xF7A  }
0x23: {  	s9 =	sor.u32 $0xD0000000, s2;
	s6 =	simm.s32 $0x108;
	_ =	swait.ge @!p0 [sflag:s8], $0x0  }
0x24: {  	s3 =	sadd.s32 $0x88, s3;
	s6 =	simm.s32 @!p1 $0x1082;
	[sflag:s4] =	ssyncset.s32 $0xFFFFF086  }
0x25: {  	[simem:s6], [sflag:s4] =	dma.local [hbm:s3], $0xF7A  }
0x26: {  	[smem:$0x3F93] =	sst s1;
	(tag) =	ssettag s2;
	_ =	strace s9  }
0x27: {  	s1 =	sld [smem:$0x3FA3]  }
0x28: {  	s2 =	sld [smem:$0x3FA4]  }
0x29: {  	s4 =	sld [smem:$0x3FA6]  }
0x2a: {  	p0 =	seq.s32 s5, $0x0;
	s5 =	sld [smem:$0x3FA7]  }
0x2b: {  	s6 =	sld [smem:$0x3FA8]  }
0x2c: {  	s7 =	sld [smem:$0x3FA9]  }
0x2d: {  	s3 =	simm.s32 $0x108;
	s8 =	sld [smem:$0x3FAA]  }
0x2e: {  	s3 =	simm.s32 @!p0 $0x1082;
	s9 =	sld [smem:$0x3FAB]  }
0x2f: {  	lr =	sadd.s32 s0, s3;
	s0 =	sld [smem:$0x3FA2]  }
0x30: {  	s3 =	sld [smem:$0x3FA5]  }
0x31: {  	[smem:$0x3FAE] =	sst s10  }
0x32: {  	s10 =	sld [smem:$0x3FAC];
	_ =	sdelay $0x3  }
0x33: {  	p0 =	seq.s32 s10, $0x1;
	s10 =	sld [smem:$0x3FAE];
	_ =	sdelay $0x3  }
0x34: {  	[smem:$0x3FAE] =	sst s10  }
0x35: {  	s10 =	sld [smem:$0x3FAD];
	_ =	sdelay $0x3  }
0x36: {  	p1 =	seq.s32 s10, $0x1;
	s10 =	sld [smem:$0x3FAE];
	_ =	sdelay $0x3  }
0x37: {  	[smem:$0x3FAE] =	sst s10  }
0x38: {  	s10 =	sld [smem:$0x3FAF]  }
0x39: {  	_ = 	snop;
	(pc) =	sbr.ind lr, $3  }
0x3a: {  	_ = 	snop  }
0x3b: {  	_ = 	snop  }
0x3c: {  	p2 =	seq.s32 s10, $0x1;
	s10 =	sld [smem:$0x3FAE]  }
0x3d: {  	_ =	shalt  }
0x3e: {  	_ =	shalt  }
0x3f: {  	_ =	shalt  }
0x40: {  	_ =	shalt  }
0x41: {  	_ =	shalt  }
0x42: {  	_ =	shalt  }
0x43: {  	_ =	shalt  }
0x44: {  	_ =	shalt  }
0x45: {  	_ =	shalt  }
0x46: {  	_ =	shalt  }
0x47: {  	_ =	shalt  }
0x48: {  	_ =	shalt  }
0x49: {  	_ =	shalt  }
0x4a: {  	_ =	shalt  }
0x4b: {  	_ =	shalt  }
0x4c: {  	_ =	shalt  }
0x4d: {  	_ =	shalt  }
0x4e: {  	_ =	shalt  }
0x4f: {  	_ =	shalt  }
0x50: {  	_ =	shalt  }
0x51: {  	_ =	shalt  }
0x52: {  	_ =	shalt  }
0x53: {  	_ =	shalt  }
0x54: {  	_ =	shalt  }
0x55: {  	_ =	shalt  }
0x56: {  	_ =	shalt  }
0x57: {  	_ =	shalt  }
0x58: {  	_ =	shalt  }
0x59: {  	_ =	shalt  }
0x5a: {  	_ =	shalt  }
0x5b: {  	_ =	shalt  }
0x5c: {  	_ =	shalt  }
0x5d: {  	_ =	shalt  }
0x5e: {  	_ =	shalt  }
0x5f: {  	_ =	shalt  }
0x60: {  	_ =	shalt  }
0x61: {  	_ =	shalt  }
0x62: {  	_ =	shalt  }
0x63: {  	_ =	shalt  }
0x64: {  	_ =	shalt  }
0x65: {  	_ =	shalt  }
0x66: {  	_ =	shalt  }
0x67: {  	_ =	shalt  }
0x68: {  	_ =	shalt  }
0x69: {  	_ =	shalt  }
0x6a: {  	_ =	shalt  }
0x6b: {  	_ =	shalt  }
0x6c: {  	_ =	shalt  }
0x6d: {  	_ =	shalt  }
0x6e: {  	_ =	shalt  }
0x6f: {  	_ =	shalt  }
0x70: {  	_ =	shalt  }
0x71: {  	_ =	shalt  }
0x72: {  	_ =	shalt  }
0x73: {  	_ =	shalt  }
0x74: {  	_ =	shalt  }
0x75: {  	_ =	shalt  }
0x76: {  	_ =	shalt  }
0x77: {  	_ =	shalt  }
0x78: {  	_ =	shalt  }
0x79: {  	_ =	shalt  }
0x7a: {  	_ =	shalt  }
0x7b: {  	_ =	shalt  }
0x7c: {  	_ =	shalt  }
0x7d: {  	_ =	shalt  }
0x7e: {  	_ =	shalt  }
0x7f: {  	_ =	shalt  }
0x80: {  	_ =	shalt  }
0x81: {  	_ =	shalt  }
0x82: {  	_ =	shalt  }
0x83: {  	_ =	shalt  }
0x84: {  	_ =	shalt  }
0x85: {  	_ =	shalt  }
0x86: {  	_ =	shalt  }
0x87: {  	_ =	shalt  }
.Lfunc_end0:
.L_simem_size_0:
called_computation_lowered:
.L_overlay_start_0:
0x88: {  	s2 =	sld [smem:$0x3FD9]  }
0x89: {  	s3 =	sld [smem:$0x3FFE];
	_ =	sdelay $0x1  }
0x8a: {  	s1 =	srdreg.scid  }
0x8b: {  	s0 =	sand.u32 $0x1, s1  }
0x8c: {  	s17 =	sshll.u32 s0, $0xA;
	s2 =	sadd.s32 s3, s2  }
0x8d: {  	s2 =	sadd.s32 s2, s17  }
0x8e: {  	[smem:$0x3FBA] =	sst s2  }
0x8f: {  	_ = 	snop  }
0x90: {  	s2 =	sld [smem:$0x3FC9]  }
0x91: {  	s18 =	sld [smem:$0x3FC8];
	(tm) =	ssettm $0x1  }
0x92: {  	s4 =	sld [smem:$0x3FFB];
	_ =	sdelay $0x3  }
0x93: {  	_ =	strace s4  }
0x94: {  	s4 =	sld [smem:$0x3FFC];
	_ =	sdelay $0x3  }
0x95: {  	_ =	strace s4  }
0x96: {  	s4 =	sld [smem:$0x3FFD];
	_ =	sdelay $0x3  }
0x97: {  	_ =	strace s4  }
0x98: {  	_ =	strace $0x8FFFFFFF  }
0x99: {  	s19 =	sld [smem:$0x3FDB];
	_ =	sdelay $0x1  }
0x9a: {  	s5 =	simm.s32 $_scs_section_size  }
0x9b: {  	s6 =	simm.s32 $_size__tile_overlayer_lowered;
	s7 =	simm.s32 $_tile_overlayer_lowered  }
0x9c: {  	s22 =	simm.s32 $0x1BFF;
	s21 =	sshll.u32 s7, $0x1;
	s4 =	sadd.s32 s5, s19  }
0x9d: {  	s8 =	simm.s32 $0x0;
	s20 =	sshll.u32 s6, $0x1;
	s6 =	sadd.s32 s21, s4  }
0x9e: {  	[timem:s8], [sflag:s22] =	dma.local [hbm:s6], s20  }
0x9f: {  	_ =	swait.ge [sflag:s22], s20  }
0xa0: {  	s5 =	ssub.s32 $0x0, s20;
	[sflag:s22] =	ssyncset.done $0x0  }
0xa1: {  	[sflag:s22] =	ssyncadd.s32 s5;
	_ =	sdelay $0x1  }
0xa2: {  	s23 =	simm.s32 $0x1B8B  }
0xa3: {  	_ =	swait.ge [sflag:s23], $0x1  }
0xa4: {  	[sflag:s23] =	ssyncset.done $0x0  }
0xa5: {  	s25 =	simm.s32 $0x1B8E;
	s24 =	sld [smem:$0x3FFE];
	[sflag:s23] =	ssyncadd.s32 $0xFFFFFFFF  }
0xa6: {  	s26 =	simm.s32 $execute0_lowered;
	[smem:$0x3FD2] =	sst s25  }
0xa7: {  	s6 =	sshll.u32 s26, $0x1;
	_ =	strace $0x80000046;
	[dreg:$0x1] =	wrdreg $0xFFFFFFFF  }
0xa8: {  	s28 =	simm.s32 $_size_execute0_lowered;
	s4 =	sadd.s32 s4, s6;
	[dreg:$0x0] =	wrdreg $0x0  }
0xa9: {  	s6 =	sshll.u32 s28, $0x1;
	[dreg:$0x2] =	wrdreg s4  }
0xaa: {  	[dreg:$0x3] =	wrdreg s6  }
0xab: {  	[dreg:$0x4] =	wrdreg $0xC0  }
0xac: {  	_ =	task [dreg:s8], $0x5FFFF  }
0xad: {  	[dreg:$0x1] =	wrdreg $0xFFFFFFFF  }
0xae: {  	[dreg:$0x0] =	wrdreg $0x60  }
0xaf: {  	[dreg:$0x2] =	wrdreg s2  }
0xb0: {  	[dreg:$0x3] =	wrdreg s18  }
0xb1: {  	[dreg:$0x4] =	wrdreg s24  }
0xb2: {  	[dreg:$0x5] =	wrdreg $0x0  }
0xb3: {  	[dreg:$0x6] =	wrdreg $0x4000  }
0xb4: {  	[dreg:$0x7] =	wrdreg $0x9  }
0xb5: {  	_ =	task.clear_ibuf [dreg:s8], $0x8FFFF;
	_ =	strace $0x90000046  }
0xb6: {  	s29 =	simm.s32 $0x9;
	_ =	strace $0x80000048  }
0xb7: {  	_ =	swait.ge [sflag:s29], $0x1  }
0xb8: {  	[sflag:s29] =	ssyncadd.s32 $0xFFFFFFFF  }
0xb9: {  	_ =	strace $0x90000048  }
0xba: {  	_ =	sfence  }
0xbb: {  	s30 =	sld [smem:$0x0];
	_ =	sdelay $0x2  }
0xbc: {  	s31 =	sshll.u32 s1, $0xD;
	s1 =	sshrl.u32 s1, $0x2  }
0xbd: {  	s3 =	sand.u32 $0x4000, s31;
	s1 =	sadd.s32 s1, s30  }
0xbe: {  	s0 =	sor.u32 s3, s0;
	s1 =	sshll.u32 s1, $0x11  }
0xbf: {  	s0 =	sor.u32 s1, s0  }
0xc0: {  	s0 =	sadd.s32 $0x8F2B, s0  }
0xc1: {  	[sflag:s0] =	ssyncadd.remote.s32 $0x1  }
0xc2: {  	_ =	sfence.sel $0xFFFF  }
0xc3: {  	[dreg:$0x0] =	wrdreg $0xFFFFFFFF;
	(pc) =	sbr.abs _section_cstart, $3  }
0xc4: {  	[dreg:$0x1] =	wrdreg $0xFFFFFFFF  }
0xc5: {  	_ =	task.clear_ibuf [dreg:s8], $0x2FFFF;
	_ =	strace $0x9FFFFFFF  }
0xc6: {  	(tm) =	ssettm $0x7FFFFFFF  }
0xc7: {  	_ =	shalt  }
tec
execute0_lowered:
.L_overlay_start_1:
0x0: {  	(tag) =	ssettag $0x1  }
0x1: {  	s0 =	rddreg [dreg:$0x0]  }
0x2: {  	s6 =	rddreg [dreg:$0x1]  }
0x3: {  	s7 =	rddreg [dreg:$0x2]  }
0x4: {  	s8 =	rddreg [dreg:$0x3]  }
0x5: {  	s9 =	rddreg [dreg:$0x4];
	s1 =	simm.s32 $0x0;
	s10 =	srdreg.scid  }
0x6: {  	s20 =	stileid.u32;
	[smem:$0x7FF] =	sst s1  }
0x7: {  	s2 =	sadd.s32 $0x3D0AA00, s7;
	s16 =	sadd.s32 $0x3D4AA00, s7;
	s10 =	sand.u32 $0x1, s10  }
0x8: {  	s17 =	sadd.s32 $0x3D8AA00, s7;
	_ =	strace $0x80000047;
	[dreg:$0x9] =	wrdreg s2  }
0x9: {  	s13 =	sshll.u32 s20, $0xA;
	s3 =	sadd.s32 $0x3DCAA00, s7;
	[dreg:$0xa] =	wrdreg s16  }
0xa: {  	s25 =	sshll.u32 s20, $0x6;
	[dreg:$0xb] =	wrdreg s17;
	s11 =	ssub.s32 $0x2, s10  }
0xb: {  	s10 =	sshll.u32 s10, $0x9;
	[dreg:$0xc] =	wrdreg s3;
	s26 =	sor.u32 $0x1C05, s25  }
0xc: {  	s22 =	sor.u32 s10, s13;
	[dreg:$0x10] =	wrdreg s26  }
0xd: {  	s23 =	sadd.s32 s22, s8;
	[dreg:$0xd] =	wrdreg s22  }
0xe: {  	s24 =	sshrl.u32 s22, $0x3;
	s28 =	sadd.s32 s22, s9;
	[dreg:$0xe] =	wrdreg s23  }
0xf: {  	s12 =	sshrl.u32 s11, $0x1;
	s0 =	sadd.s32 s0, s24;
	[dreg:$0x11] =	wrdreg s28  }
0x10: {  	s21 =	ssub.s32 s11, s12;
	s29 =	sadd.s32 s6, s24;
	[dreg:$0xf] =	wrdreg s0  }
0x11: {  	s19 =	sadd.s32 $0x1A00, s7;
	s30 =	smax.u32 s21, $0x1;
	[dreg:$0x12] =	wrdreg s29  }
0x12: {  	s4 =	sadd.s32 $0xF43E00, s7;
	s31 =	sshrl.u32 s23, $0x3;
	[dreg:$0x13] =	wrdreg s30  }
0x13: {  	s5 =	sadd.s32 $0x1E86200, s7;
	[dreg:$0x14] =	wrdreg s31;
	s0 =	sshrl.u32 s28, $0x3  }
0x14: {  	s18 =	sadd.s32 $0x2DC8600, s7;
	s2 =	simm.s32 $0x0;
	[dreg:$0x15] =	wrdreg s0  }
.LBB2_1:
0x15: {  	[dreg:$0x16] =	wrdreg s2  }
0x16: {  	s0 =	rddreg [dreg:$0xf]  }
0x17: {  	s25 =	rddreg [dreg:$0x10]  }
0x18: {  	s3 =	rddreg [dreg:$0x14];
	s26 =	simm.s32 $0x5  }
0x19: {  	[spmem:s3], [sflag:s25] =	dma.local [hbm:s0], $0x40  }
0x1a: {  	_ =	swait.ge [sflag:s26], $0x40  }
0x1b: {  	[sflag:s26] =	ssyncset.done $0x0;
	s28 =	rddreg [dreg:$0x12]  }
0x1c: {  	s6 =	rddreg [dreg:$0x15];
	[sflag:s26] =	ssyncadd.s32 $0xFFFFFFC0  }
0x1d: {  	[spmem:s6], [sflag:s25] =	dma.local [hbm:s28], $0x40  }
0x1e: {  	_ =	swait.ge [sflag:s26], $0x40  }
0x1f: {  	[sflag:s26] =	ssyncset.done $0x0  }
0x20: {  	s29 =	rddreg [dreg:$0xe];
	[sflag:s26] =	ssyncadd.s32 $0xFFFFFFC0  }
0x21: {  	[smem:s1], [sflag:$0x5] =	stream.linear.gather [spmem:s29], $0x200, $0x38;
	[tilespmem:$0x8800] =	vst v63  }
0x22: {  	_ =	swait.ge [sflag:s26], $0x200  }
0x23: {  	[sflag:s26] =	ssyncset.done $0x0  }
0x24: {  	s31 =	simm.s32 $0x200;
	s30 =	rddreg [dreg:$0x11];
	[sflag:s26] =	ssyncadd.s32 $0xFFFFFE00  }
0x25: {  	[smem:s31], [sflag:$0x5] =	stream.linear.gather [spmem:s30], $0x200, $0x38;
	[tilespmem:$0x8800] =	vst v63  }
0x26: {  	_ =	swait.ge [sflag:s26], $0x200  }
0x27: {  	s2 =	simm.s32 $0x204;
	[sflag:s26] =	ssyncset.done $0x0  }
0x28: {  	s8 =	simm.s32 $0x0;
	s3 =	simm.s32 $0x4;
	[sflag:s26] =	ssyncadd.s32 $0xFFFFFE00  }
.LBB2_2:
0x29: {  	s6 =	sld [smem:s3+$0xFFFFFFFD]  }
0x2a: {  	s0 =	sld [smem:s2+$0xFFFFFFFC]  }
0x2b: {  	s7 =	sld [smem:s3+$0xFFFFFFFC]  }
0x2c: {  	[dreg:$0x19] =	wrdreg s8;
	s17 =	sshll.u32 s8, $0x6  }
0x2d: {  	s11 =	simm.s32 $0x0;
	s12 =	simm.s32 $0x800;
	[dreg:$0x1a] =	wrdreg s17  }
0x2e: {  	s21 =	simm.s32 $0x4800;
	s22 =	simm.s32 $0x6800;
	s16 =	sld [smem:s3+$0x2]  }
0x2f: {  	s23 =	simm.s32 $0x880;
	s25 =	simm.s32 $0x2880;
	s8 =	sld [smem:s2+$0xFFFFFFFD]  }
0x30: {  	s29 =	simm.s32 $0x4880;
	s30 =	simm.s32 $0x6880;
	s9 =	sld [smem:s3+$0xFFFFFFFE]  }
0x31: {  	s13 =	simm.s32 $0x980;
	s17 =	simm.s32 $0x2800;
	s10 =	sld [smem:s2+$0xFFFFFFFE]  }
0x32: {  	s15 =	sld [smem:s2+$0xFFFFFFFF];
	p0 =	sgt.s32 s0, $0x0;
	p1 =	sgt.s32 s6, $0x0  }
0x33: {  	s0 =	simm.s32 @!p0 $0x0;
	p0 =	sgt.s32 s7, $0x0;
	s6 =	simm.s32 @!p1 $0x0  }
0x34: {  	s0 =	smin.u32 s0, $0xF423F;
	s7 =	simm.s32 @!p0 $0x0;
	p0 =	sgt.s32 s8, $0x0  }
0x35: {  	s6 =	smin.u32 s6, $0xF423F;
	s7 =	smin.u32 s7, $0xF423F;
	s8 =	simm.s32 @!p0 $0x0  }
0x36: {  	s20 =	sshll.u32 s0, $0x4;
	s6 =	sshll.u32 s6, $0x4;
	p0 =	sgt.s32 s9, $0x0  }
0x37: {  	s7 =	sshll.u32 s7, $0x4;
	s8 =	smin.u32 s8, $0xF423F;
	s26 =	sadd.s32 s4, s20  }
0x38: {  	s24 =	sadd.s32 s19, s6;
	s9 =	simm.s32 @!p0 $0x0;
	p0 =	sgt.s32 s10, $0x0  }
0x39: {  	s6 =	sadd.s32 s5, s6;
	s14 =	sadd.s32 s19, s7;
	s7 =	sadd.s32 s5, s7  }
0x3a: {  	s8 =	sshll.u32 s8, $0x4;
	s9 =	smin.u32 s9, $0xF423F;
	s10 =	simm.s32 @!p0 $0x0  }
0x3b: {  	[tilespmem:s12], [sflag:$0x1] =	stream.linear.gather [hbm4b:s14+s1], $0x80, $0x38;
	[tilespmem:$0x8800] =	vst v63  }
0x3c: {  	p0 =	sgt.s32 s15, $0x0;
	s12 =	sadd.s32 s18, s20;
	s28 =	sadd.s32 s4, s8  }
0x3d: {  	s8 =	sadd.s32 s18, s8;
	s9 =	sshll.u32 s9, $0x4;
	s14 =	sld [smem:s3+$0xFFFFFFFF]  }
0x3e: {  	s10 =	smin.u32 s10, $0xF423F;
	s15 =	simm.s32 @!p0 $0x0;
	s0 =	sld [smem:s3+$0x0]  }
0x3f: {  	[tilespmem:s17], [sflag:$0x2] =	stream.linear.gather [hbm4b:s26+s1], $0x80, $0x38;
	[tilespmem:$0x8800] =	vst v63  }
0x40: {  	s31 =	sshll.u32 s10, $0x4;
	s10 =	simm.s32 $0x4900;
	s20 =	sadd.s32 s5, s9  }
0x41: {  	[tilespmem:s21], [sflag:$0x3] =	stream.linear.gather [hbm4b:s7+s1], $0x80, $0x38;
	[tilespmem:$0x8800] =	vst v63  }
0x42: {  	s9 =	sadd.s32 s19, s9;
	s17 =	simm.s32 $0x0;
	p1 =	sgt.s32 s14, $0x0  }
0x43: {  	[tilespmem:s22], [sflag:$0x4] =	stream.linear.gather [hbm4b:s12+s1], $0x80, $0x38;
	[tilespmem:$0x8800] =	vst v63  }
0x44: {  	s21 =	simm.s32 $0x900;
	p0 =	sgt.s32 s0, $0x0;
	s7 =	simm.s32 $0xA80  }
0x45: {  	[tilespmem:s23], [sflag:$0x1] =	stream.linear.gather [hbm4b:s24+s1], $0x80, $0x38;
	[tilespmem:$0x8800] =	vst v63  }
0x46: {  	s14 =	simm.s32 @!p1 $0x0;
	s0 =	simm.s32 @!p0 $0x0;
	s26 =	sld [smem:s2+$0x0]  }
0x47: {  	[tilespmem:s25], [sflag:$0x2] =	stream.linear.gather [hbm4b:s28+s1], $0x80, $0x38;
	[tilespmem:$0x8800] =	vst v63  }
0x48: {  	p1 =	sgt.s32 s16, $0x0;
	s22 =	simm.s32 $0x2900;
	s0 =	smin.u32 s0, $0xF423F  }
0x49: {  	[tilespmem:s29], [sflag:$0x3] =	stream.linear.gather [hbm4b:s6+s1], $0x80, $0x38;
	[tilespmem:$0x8800] =	vst v63  }
0x4a: {  	s14 =	smin.u32 s14, $0xF423F;
	s0 =	sshll.u32 s0, $0x4;
	s23 =	smin.u32 s15, $0xF423F  }
0x4b: {  	[tilespmem:s30], [sflag:$0x4] =	stream.linear.gather [hbm4b:s8+s1], $0x80, $0x38;
	[tilespmem:$0x8800] =	vst v63  }
0x4c: {  	s24 =	sadd.s32 s4, s31;
	s12 =	sshll.u32 s23, $0x4;
	s25 =	sshll.u32 s14, $0x4  }
0x4d: {  	[tilespmem:s21], [sflag:$0x1] =	stream.linear.gather [hbm4b:s9+s1], $0x80, $0x38;
	[tilespmem:$0x8800] =	vst v63  }
0x4e: {  	s28 =	sadd.s32 s4, s12;
	s14 =	simm.s32 $0x1000;
	s29 =	sadd.s32 s19, s25  }
0x4f: {  	[tilespmem:s22], [sflag:$0x2] =	stream.linear.gather [hbm4b:s24+s1], $0x80, $0x38;
	[tilespmem:$0x8800] =	vst v63  }
0x50: {  	s6 =	sadd.s32 s18, s31;
	p0 =	sgt.s32 s26, $0x0;
	s15 =	sld [smem:s3+$0x1]  }
0x51: {  	[tilespmem:s10], [sflag:$0x3] =	stream.linear.gather [hbm4b:s20+s1], $0x80, $0x38;
	[tilespmem:$0x8800] =	vst v63  }
0x52: {  	s31 =	simm.s32 $0x4980;
	s26 =	simm.s32 @!p0 $0x0;
	s30 =	simm.s32 $0x6900  }
0x53: {  	[tilespmem:s30], [sflag:$0x4] =	stream.linear.gather [hbm4b:s6+s1], $0x80, $0x38;
	[tilespmem:$0x8800] =	vst v63  }
0x54: {  	s21 =	simm.s32 $0xA00;
	s9 =	sadd.s32 s5, s25;
	s8 =	sld [smem:s2+$0x1]  }
0x55: {  	[tilespmem:s13], [sflag:$0x1] =	stream.linear.gather [hbm4b:s29+s1], $0x80, $0x38;
	[tilespmem:$0x8800] =	vst v63  }
0x56: {  	s22 =	smin.u32 s26, $0xF423F;
	s24 =	sadd.s32 s19, s0;
	s20 =	simm.s32 $0x2980  }
0x57: {  	[tilespmem:s20], [sflag:$0x2] =	stream.linear.gather [hbm4b:s28+s1], $0x80, $0x38;
	[tilespmem:$0x8800] =	vst v63  }
0x58: {  	s0 =	sadd.s32 s5, s0;
	s23 =	sshll.u32 s22, $0x4;
	s10 =	simm.s32 $0x6980  }
0x59: {  	[tilespmem:s31], [sflag:$0x3] =	stream.linear.gather [hbm4b:s9+s1], $0x80, $0x38;
	[tilespmem:$0x8800] =	vst v63  }
0x5a: {  	p0 =	sgt.s32 s15, $0x0;
	s13 =	sadd.s32 s18, s12;
	s26 =	sld [smem:s2+$0x2]  }
0x5b: {  	[tilespmem:s10], [sflag:$0x4] =	stream.linear.gather [hbm4b:s13+s1], $0x80, $0x38;
	[tilespmem:$0x8800] =	vst v63  }
0x5c: {  	s30 =	simm.s32 $0x4A00;
	s6 =	sadd.s32 s18, s23;
	s15 =	simm.s32 @!p0 $0x0  }
0x5d: {  	[tilespmem:s21], [sflag:$0x1] =	stream.linear.gather [hbm4b:s24+s1], $0x80, $0x38;
	[tilespmem:$0x8800] =	vst v63  }
0x5e: {  	s29 =	sadd.s32 s4, s23;
	p0 =	sgt.s32 s8, $0x0;
	s28 =	simm.s32 $0x2A00  }
0x5f: {  	[tilespmem:s28], [sflag:$0x2] =	stream.linear.gather [hbm4b:s29+s1], $0x80, $0x38;
	[tilespmem:$0x8800] =	vst v63  }
0x60: {  	s25 =	smin.u32 s15, $0xF423F;
	s12 =	sadd.s32 $0x8, s3;
	s8 =	simm.s32 @!p0 $0x0  }
0x61: {  	[tilespmem:s30], [sflag:$0x3] =	stream.linear.gather [hbm4b:s0+s1], $0x80, $0x38;
	[tilespmem:$0x8800] =	vst v63  }
0x62: {  	s15 =	sadd.s32 $0x8, s2;
	s31 =	simm.s32 $0x6A00;
	s9 =	smin.u32 s8, $0xF423F  }
0x63: {  	[tilespmem:s31], [sflag:$0x4] =	stream.linear.gather [hbm4b:s6+s1], $0x80, $0x38;
	[tilespmem:$0x8800] =	vst v63  }
0x64: {  	s8 =	simm.s32 $0x2A80;
	s10 =	sshll.u32 s25, $0x4;
	[dreg:$0x18] =	wrdreg s3  }
0x65: {  	s13 =	smov.u32 s3;
	s0 =	smov.u32 s2;
	[dreg:$0x17] =	wrdreg s2  }
.LBB2_3:
0x66: {  	s11 =	sadd.s32 $0x8, s11;
	s28 =	sadd.s32 s19, s10;
	s9 =	sshll.u32 s9, $0x4  }
0x67: {  	s24 =	sld [smem:s12+$0x2];
	s29 =	sadd.s32 s5, s10;
	s16 =	simm.s32 @!p1 $0x0  }
0x68: {  	s2 =	sadd.s32 $0x6A80, s17;
	s20 =	sadd.s32 $0x2B00, s17;
	s21 =	sadd.s32 $0x4B80, s17  }
0x69: {  	s22 =	sadd.s32 $0x4B00, s17;
	s23 =	sadd.s32 $0xB80, s17;
	[dreg:$0x6] =	wrdreg s11  }
0x6a: {  	[tilespmem:s7], [sflag:$0x1] =	stream.linear.gather [hbm4b:s28+s1], $0x80, $0x38;
	[tilespmem:$0x8800] =	vst v63  }
0x6b: {  	p0 =	slt.u32 s11, $0x38;
	s25 =	sadd.s32 s4, s9;
	s28 =	sadd.s32 $0x4A80, s17  }
0x6c: {  	s30 =	sadd.s32 s18, s9;
	s31 =	smin.u32 s16, $0xF423F;
	p1 =	sgt.s32 s26, $0x0  }
0x6d: {  	[tilespmem:s8], [sflag:$0x2] =	stream.linear.gather [hbm4b:s25+s1], $0x80, $0x38;
	[tilespmem:$0x8800] =	vst v63  }
0x6e: {  	s9 =	sshll.u32 s31, $0x4;
	s26 =	simm.s32 @!p1 $0x0;
	s16 =	smov.u32 s24  }
0x6f: {  	[tilespmem:s28], [sflag:$0x3] =	stream.linear.gather [hbm4b:s29+s1], $0x80, $0x38;
	[tilespmem:$0x8800] =	vst v63  }
0x70: {  	s6 =	sadd.s32 s19, s9;
	s8 =	sadd.s32 $0xB00, s17;
	s28 =	sld [smem:s13+$0x3]  }
0x71: {  	s9 =	sadd.s32 s5, s9;
	s24 =	sadd.s32 $0x6B00, s17;
	s29 =	sld [smem:s0+$0x3]  }
0x72: {  	s3 =	smin.u32 s26, $0xF423F;
	s26 =	smov.u32 s14;
	s0 =	sld [smem:s12+$0xFFFFFFFD]  }
0x73: {  	[tilespmem:s2], [sflag:$0x4] =	stream.linear.gather [hbm4b:s30+s1], $0x80, $0x38;
	[tilespmem:$0x8800] =	vst v63  }
0x74: {  	s11 =	sshll.u32 s3, $0x4;
	s2 =	smov.u32 s12;
	s30 =	sld [smem:s15+$0xFFFFFFFD]  }
0x75: {  	s10 =	sadd.s32 s4, s11;
	[dreg:$0x7] =	wrdreg s2;
	p1 =	sgt.s32 s28, $0x0  }
0x76: {  	[tilespmem:s8], [sflag:$0x1] =	stream.linear.gather [hbm4b:s6+s1], $0x80, $0x38;
	[tilespmem:$0x8800] =	vst v63  }
0x77: {  	p2 =	sgt.s32 s0, $0x0;
	s2 =	sadd.s32 $0x2B80, s17;
	s28 =	simm.s32 @!p1 $0x0  }
0x78: {  	p1 =	sgt.s32 s29, $0x0;
	s8 =	sadd.s32 s18, s11;
	s0 =	simm.s32 @!p2 $0x0  }
0x79: {  	s6 =	sadd.s32 $0x6B80, s17;
	s17 =	sshra.s32 s14, $0x2;
	s11 =	sld [smem:s12+$0xFFFFFFFE]  }
0x7a: {  	s14 =	smov.u32 s18;
	s25 =	smin.u32 s28, $0xF423F;
	s29 =	simm.s32 @!p1 $0x0  }
0x7b: {  	[tilespmem:s20], [sflag:$0x2] =	stream.linear.gather [hbm4b:s10+s1], $0x80, $0x38;
	[tilespmem:$0x8800] =	vst v63  }
0x7c: {  	s28 =	sld [smem:s15+$0xFFFFFFFC];
	s29 =	smin.u32 s29, $0xF423F;
	s20 =	sadd.s32 $0x800, s17  }
0x7d: {  	[tilespmem:s22], [sflag:$0x3] =	stream.linear.gather [hbm4b:s9+s1], $0x80, $0x38;
	[tilespmem:$0x8800] =	vst v63  }
0x7e: {  	s7 =	sshll.u32 s29, $0x4;
	s29 =	sadd.s32 $0x2880, s17;
	s9 =	sshll.u32 s25, $0x4  }
0x7f: {  	p1 =	sgt.s32 s28, $0x0;
	s3 =	sadd.s32 s4, s7;
	s7 =	sadd.s32 s18, s7  }
0x80: {  	s22 =	sld [smem:s12+$0xFFFFFFFC];
	s28 =	simm.s32 @!p1 $0x0;
	s31 =	sadd.s32 s19, s9  }
0x81: {  	[tilespmem:s24], [sflag:$0x4] =	stream.linear.gather [hbm4b:s8+s1], $0x80, $0x38;
	[tilespmem:$0x8800] =	vst v63  }
0x82: {  	p1 =	sgt.s32 s30, $0x0;
	s9 =	sadd.s32 s5, s9;
	s8 =	smin.u32 s28, $0xF423F  }
0x83: {  	s30 =	simm.s32 @!p1 $0x0;
	p1 =	sgt.s32 s11, $0x0;
	s28 =	sadd.s32 $0x4880, s17  }
0x84: {  	s24 =	sadd.s32 $0x6800, s17;
	s11 =	simm.s32 @!p1 $0x0;
	p1 =	sgt.s32 s22, $0x0  }
0x85: {  	[tilespmem:s23], [sflag:$0x1] =	stream.linear.gather [hbm4b:s31+s1], $0x80, $0x38;
	[tilespmem:$0x8800] =	vst v63  }
0x86: {  	s13 =	smin.u32 s30, $0xF423F;
	s30 =	sadd.s32 $0x880, s17;
	s22 =	simm.s32 @!p1 $0x0  }
0x87: {  	s23 =	sadd.s32 $0x2800, s17;
	s11 =	smin.u32 s11, $0xF423F;
	s22 =	smin.u32 s22, $0xF423F  }
0x88: {  	[tilespmem:s2], [sflag:$0x2] =	stream.linear.gather [hbm4b:s3+s1], $0x80, $0x38;
	[tilespmem:$0x8800] =	vst v63  }
0x89: {  	s11 =	sshll.u32 s11, $0x4;
	s22 =	sshll.u32 s22, $0x4;
	s3 =	smin.u32 s0, $0xF423F  }
0x8a: {  	[tilespmem:s21], [sflag:$0x3] =	stream.linear.gather [hbm4b:s9+s1], $0x80, $0x38;
	[tilespmem:$0x8800] =	vst v63  }
0x8b: {  	s0 =	sadd.s32 $0x980, s17;
	s10 =	sadd.s32 s5, s11;
	s9 =	sshll.u32 s13, $0x4  }
0x8c: {  	s13 =	sadd.s32 $0x4800, s17;
	s21 =	sld [smem:s15+$0xFFFFFFFF];
	s31 =	sadd.s32 s18, s9  }
0x8d: {  	s25 =	sadd.s32 s4, s9;
	s9 =	sadd.s32 $0x6880, s17;
	s18 =	smov.u32 s4  }
0x8e: {  	[tilespmem:s6], [sflag:$0x4] =	stream.linear.gather [hbm4b:s7+s1], $0x80, $0x38;
	[tilespmem:$0x8800] =	vst v63  }
0x8f: {  	s4 =	smov.u32 s19;
	s19 =	sshll.u32 s3, $0x4;
	s7 =	sld [smem:s15+$0xFFFFFFFE]  }
0x90: {  	[dreg:$0x8] =	wrdreg s31;
	s6 =	sadd.s32 s4, s22;
	s31 =	sshll.u32 s8, $0x4  }
0x91: {  	s8 =	sadd.s32 $0x4900, s17;
	s22 =	sadd.s32 s5, s22;
	s3 =	sadd.s32 s4, s19  }
0x92: {  	[tilespmem:s20], [sflag:$0x1] =	stream.linear.gather [hbm4b:s6+s1], $0x80, $0x38;
	[tilespmem:$0x8800] =	vst v63  }
0x93: {  	s11 =	sadd.s32 s4, s11;
	s2 =	sadd.s32 s18, s31;
	s20 =	sld [smem:s12+$0xFFFFFFFF]  }
0x94: {  	s31 =	sadd.s32 s14, s31;
	s6 =	sld [smem:s12+$0x0];
	p1 =	sgt.s32 s7, $0x0  }
0x95: {  	[tilespmem:s23], [sflag:$0x2] =	stream.linear.gather [hbm4b:s2+s1], $0x80, $0x38;
	[tilespmem:$0x8800] =	vst v63  }
0x96: {  	s7 =	simm.s32 @!p1 $0x0;
	p1 =	sgt.s32 s21, $0x0;
	s2 =	sadd.s32 $0x900, s17  }
0x97: {  	s23 =	sadd.s32 $0x2900, s17;
	s7 =	smin.u32 s7, $0xF423F;
	p2 =	sgt.s32 s20, $0x0  }
0x98: {  	s21 =	simm.s32 @!p1 $0x0;
	p1 =	sgt.s32 s6, $0x0;
	s7 =	sshll.u32 s7, $0x4  }
0x99: {  	[tilespmem:s13], [sflag:$0x3] =	stream.linear.gather [hbm4b:s22+s1], $0x80, $0x38;
	[tilespmem:$0x8800] =	vst v63  }
0x9a: {  	s20 =	simm.s32 @!p2 $0x0;
	s13 =	sadd.s32 s5, s19;
	s6 =	simm.s32 @!p1 $0x0  }
0x9b: {  	s22 =	smin.u32 s21, $0xF423F;
	s20 =	smin.u32 s20, $0xF423F;
	s6 =	smin.u32 s6, $0xF423F  }
0x9c: {  	[tilespmem:s24], [sflag:$0x4] =	stream.linear.gather [hbm4b:s31+s1], $0x80, $0x38;
	[tilespmem:$0x8800] =	vst v63  }
0x9d: {  	s19 =	sshll.u32 s20, $0x4;
	s20 =	sshll.u32 s22, $0x4;
	s22 =	sld [smem:s15+$0x0]  }
0x9e: {  	[tilespmem:s30], [sflag:$0x1] =	stream.linear.gather [hbm4b:s3+s1], $0x80, $0x38;
	[tilespmem:$0x8800] =	vst v63  }
0x9f: {  	s31 =	rddreg [dreg:$0x8];
	s21 =	sadd.s32 s18, s20;
	s24 =	sadd.s32 s4, s19  }
0xa0: {  	[tilespmem:s29], [sflag:$0x2] =	stream.linear.gather [hbm4b:s25+s1], $0x80, $0x38;
	[tilespmem:$0x8800] =	vst v63  }
0xa1: {  	s20 =	sadd.s32 s14, s20;
	s30 =	sadd.s32 s18, s7;
	p1 =	sgt.s32 s22, $0x0  }
0xa2: {  	[tilespmem:s28], [sflag:$0x3] =	stream.linear.gather [hbm4b:s13+s1], $0x80, $0x38;
	[tilespmem:$0x8800] =	vst v63  }
0xa3: {  	s25 =	sadd.s32 $0x4980, s17;
	s29 =	sadd.s32 s5, s19;
	s19 =	smov.u32 s4  }
0xa4: {  	[tilespmem:s9], [sflag:$0x4] =	stream.linear.gather [hbm4b:s31+s1], $0x80, $0x38;
	[tilespmem:$0x8800] =	vst v63  }
0xa5: {  	s4 =	smov.u32 s18;
	s18 =	smov.u32 s14;
	s14 =	smov.u32 s26  }
0xa6: {  	[tilespmem:s2], [sflag:$0x1] =	stream.linear.gather [hbm4b:s11+s1], $0x80, $0x38;
	[tilespmem:$0x8800] =	vst v63  }
0xa7: {  	s22 =	simm.s32 @!p1 $0x0;
	s26 =	sld [smem:s15+$0x2];
	s7 =	sadd.s32 s18, s7  }
0xa8: {  	[tilespmem:s23], [sflag:$0x2] =	stream.linear.gather [hbm4b:s30+s1], $0x80, $0x38;
	[tilespmem:$0x8800] =	vst v63  }
0xa9: {  	s14 =	sadd.s32 $0x1000, s14;
	s13 =	sadd.s32 $0x6980, s17;
	s28 =	sadd.s32 $0xA00, s17  }
0xaa: {  	[tilespmem:s8], [sflag:$0x3] =	stream.linear.gather [hbm4b:s10+s1], $0x80, $0x38;
	[tilespmem:$0x8800] =	vst v63  }
0xab: {  	s9 =	sadd.s32 $0x6900, s17;
	s31 =	smin.u32 s22, $0xF423F;
	s11 =	sld [smem:s12+$0x1]  }
0xac: {  	[tilespmem:s9], [sflag:$0x4] =	stream.linear.gather [hbm4b:s7+s1], $0x80, $0x38;
	[tilespmem:$0x8800] =	vst v63  }
0xad: {  	s22 =	sadd.s32 $0x2980, s17;
	s12 =	sadd.s32 $0x8, s12;
	s30 =	sshll.u32 s6, $0x4  }
0xae: {  	[tilespmem:s0], [sflag:$0x1] =	stream.linear.gather [hbm4b:s24+s1], $0x80, $0x38;
	[tilespmem:$0x8800] =	vst v63  }
0xaf: {  	s6 =	sshll.u32 s31, $0x4;
	s23 =	sadd.s32 s19, s30;
	p1 =	sgt.s32 s11, $0x0  }
0xb0: {  	[tilespmem:s22], [sflag:$0x2] =	stream.linear.gather [hbm4b:s21+s1], $0x80, $0x38;
	[tilespmem:$0x8800] =	vst v63  }
0xb1: {  	s3 =	sadd.s32 s5, s30;
	s30 =	sadd.s32 $0x6A00, s17;
	s10 =	sld [smem:s15+$0x1]  }
0xb2: {  	[tilespmem:s25], [sflag:$0x3] =	stream.linear.gather [hbm4b:s29+s1], $0x80, $0x38;
	[tilespmem:$0x8800] =	vst v63  }
0xb3: {  	s31 =	sadd.s32 s18, s6;
	s11 =	simm.s32 @!p1 $0x0;
	s8 =	sadd.s32 $0x2A80, s17  }
0xb4: {  	[tilespmem:s13], [sflag:$0x4] =	stream.linear.gather [hbm4b:s20+s1], $0x80, $0x38;
	[tilespmem:$0x8800] =	vst v63  }
0xb5: {  	s11 =	smin.u32 s11, $0xF423F;
	s7 =	sadd.s32 $0xA80, s17;
	p1 =	sgt.s32 s10, $0x0  }
0xb6: {  	[tilespmem:s28], [sflag:$0x1] =	stream.linear.gather [hbm4b:s23+s1], $0x80, $0x38;
	[tilespmem:$0x8800] =	vst v63  }
0xb7: {  	s10 =	simm.s32 @!p1 $0x0;
	s25 =	sadd.s32 $0x2A00, s17;
	s28 =	sadd.s32 s4, s6  }
0xb8: {  	[tilespmem:s25], [sflag:$0x2] =	stream.linear.gather [hbm4b:s28+s1], $0x80, $0x38;
	[tilespmem:$0x8800] =	vst v63  }
.Ltmp0:
0xb9: {  	s0 =	smov.u32 s15;
	s9 =	smin.u32 s10, $0xF423F;
	(pc) =	sbr.rel @p0 .LBB2_3-.Ltmp0, $4  }
0xba: {  	s10 =	sshll.u32 s11, $0x4;
	s11 =	rddreg [dreg:$0x6];
	s29 =	sadd.s32 $0x4A00, s17  }
0xbb: {  	[tilespmem:s29], [sflag:$0x3] =	stream.linear.gather [hbm4b:s3+s1], $0x80, $0x38;
	[tilespmem:$0x8800] =	vst v63  }
0xbc: {  	p1 =	sgt.s32 s16, $0x0;
	s15 =	sadd.s32 $0x8, s15;
	s13 =	rddreg [dreg:$0x7]  }
0xbd: {  	[tilespmem:s30], [sflag:$0x4] =	stream.linear.gather [hbm4b:s31+s1], $0x80, $0x38;
	[tilespmem:$0x8800] =	vst v63  }
0xbe: {  	s2 =	sadd.s32 s19, s10;
	s14 =	sshll.u32 s9, $0x4  }
0xbf: {  	s15 =	sadd.s32 $0x4A80, s17;
	s6 =	sadd.s32 s5, s10;
	s16 =	simm.s32 @!p1 $0x0  }
0xc0: {  	[tilespmem:s7], [sflag:$0x1] =	stream.linear.gather [hbm4b:s2+s1], $0x80, $0x38;
	[tilespmem:$0x8800] =	vst v63  }
0xc1: {  	p0 =	sgt.s32 s26, $0x0;
	s20 =	sadd.s32 $0x6A80, s17;
	s3 =	sadd.s32 s4, s14  }
0xc2: {  	[tilespmem:s8], [sflag:$0x2] =	stream.linear.gather [hbm4b:s3+s1], $0x80, $0x38;
	[tilespmem:$0x8800] =	vst v63  }
0xc3: {  	s23 =	sadd.s32 $0xB00, s17;
	s16 =	smin.u32 s16, $0xF423F;
	s26 =	simm.s32 @!p0 $0x0  }
0xc4: {  	[tilespmem:s15], [sflag:$0x3] =	stream.linear.gather [hbm4b:s6+s1], $0x80, $0x38;
	[tilespmem:$0x8800] =	vst v63  }
0xc5: {  	s2 =	sadd.s32 s18, s14;
	s21 =	smin.u32 s26, $0xF423F;
	s3 =	sshll.u32 s16, $0x4  }
0xc6: {  	[tilespmem:s20], [sflag:$0x4] =	stream.linear.gather [hbm4b:s2+s1], $0x80, $0x38;
	[tilespmem:$0x8800] =	vst v63  }
0xc7: {  	s22 =	sadd.s32 s19, s3;
	s2 =	sshll.u32 s21, $0x4;
	s8 =	sld [smem:s13+$0x3]  }
0xc8: {  	[tilespmem:s23], [sflag:$0x1] =	stream.linear.gather [hbm4b:s22+s1], $0x80, $0x38;
	[tilespmem:$0x8800] =	vst v63  }
0xc9: {  	s25 =	sadd.s32 $0x2B00, s17;
	s24 =	sadd.s32 s4, s2  }
0xca: {  	[tilespmem:s25], [sflag:$0x2] =	stream.linear.gather [hbm4b:s24+s1], $0x80, $0x38;
	[tilespmem:$0x8800] =	vst v63  }
0xcb: {  	s28 =	sadd.s32 $0x6B00, s17;
	p0 =	sgt.s32 s8, $0x0;
	s0 =	sld [smem:s0+$0x3]  }
0xcc: {  	s26 =	sadd.s32 $0x4B00, s17;
	s3 =	sadd.s32 s5, s3;
	s8 =	simm.s32 @!p0 $0x0  }
0xcd: {  	[tilespmem:s26], [sflag:$0x3] =	stream.linear.gather [hbm4b:s3+s1], $0x80, $0x38;
	[tilespmem:$0x8800] =	vst v63  }
0xce: {  	s2 =	sadd.s32 s18, s2;
	s29 =	smin.u32 s8, $0xF423F;
	p0 =	sgt.s32 s0, $0x0  }
0xcf: {  	[tilespmem:s28], [sflag:$0x4] =	stream.linear.gather [hbm4b:s2+s1], $0x80, $0x38;
	[tilespmem:$0x8800] =	vst v63  }
0xd0: {  	s30 =	sshll.u32 s29, $0x4;
	s0 =	simm.s32 @!p0 $0x0  }
0xd1: {  	s31 =	sadd.s32 $0xB80, s17;
	s6 =	sadd.s32 s19, s30;
	s0 =	smin.u32 s0, $0xF423F  }
0xd2: {  	[tilespmem:s31], [sflag:$0x1] =	stream.linear.gather [hbm4b:s6+s1], $0x80, $0x38;
	[tilespmem:$0x8800] =	vst v63  }
0xd3: {  	s0 =	sshll.u32 s0, $0x4  }
0xd4: {  	s7 =	sadd.s32 $0x2B80, s17;
	s8 =	sadd.s32 s4, s0  }
0xd5: {  	[tilespmem:s7], [sflag:$0x2] =	stream.linear.gather [hbm4b:s8+s1], $0x80, $0x38;
	[tilespmem:$0x8800] =	vst v63  }
0xd6: {  	s9 =	sadd.s32 $0x4B80, s17;
	s2 =	sadd.s32 s5, s30  }
0xd7: {  	[tilespmem:s9], [sflag:$0x3] =	stream.linear.gather [hbm4b:s2+s1], $0x80, $0x38;
	[tilespmem:$0x8800] =	vst v63  }
0xd8: {  	s10 =	sadd.s32 $0x6B80, s17;
	s11 =	simm.s32 $0x1;
	s0 =	sadd.s32 s18, s0  }
0xd9: {  	[tilespmem:s10], [sflag:$0x4] =	stream.linear.gather [hbm4b:s0+s1], $0x80, $0x38;
	[tilespmem:$0x8800] =	vst v63  }
0xda: {  	_ =	swait.ge [sflag:s11], $0x2000  }
0xdb: {  	[sflag:s11] =	ssyncset.done $0x0  }
0xdc: {  	s12 =	simm.s32 $0x2;
	[sflag:s11] =	ssyncadd.s32 $0xFFFFE000  }
0xdd: {  	_ =	swait.ge [sflag:s12], $0x2000  }
0xde: {  	[sflag:s12] =	ssyncset.done $0x0  }
0xdf: {  	s13 =	simm.s32 $0x3;
	[sflag:s12] =	ssyncadd.s32 $0xFFFFE000  }
0xe0: {  	_ =	swait.ge [sflag:s13], $0x2000  }
0xe1: {  	[sflag:s13] =	ssyncset.done $0x0  }
0xe2: {  	s14 =	simm.s32 $0x4;
	[sflag:s13] =	ssyncadd.s32 $0xFFFFE000  }
0xe3: {  	_ =	swait.ge [sflag:s14], $0x2000  }
0xe4: {  	s15 =	rddreg [dreg:$0xd]  }
0xe5: {  	s16 =	rddreg [dreg:$0x1a]  }
0xe6: {  	s20 =	simm.s32 $0x800;
	s0 =	sor.u32 s15, s16  }
0xe7: {  	[sflag:s14] =	ssyncset.done $0x0;
	s17 =	rddreg [dreg:$0x9];
	s0 =	sshll.u32 s0, $0x4  }
0xe8: {  	s21 =	simm.s32 $0x5;
	[sflag:s14] =	ssyncadd.s32 $0xFFFFE000;
	s2 =	sadd.s32 s17, s0  }
0xe9: {  	[hbm4b:s2+s1] =	stream.linear.scatter [tilespmem:s20], [sflag:$0x5], $0x2000, $0x38;
	[tilespmem:$0x8800] =	vst v63  }
0xea: {  	_ =	swait.ge [sflag:s21], $0x2000  }
0xeb: {  	[sflag:s21] =	ssyncset.done $0x0;
	s22 =	rddreg [dreg:$0xa]  }
0xec: {  	s23 =	simm.s32 $0x2800;
	[sflag:s21] =	ssyncadd.s32 $0xFFFFE000;
	s2 =	sadd.s32 s22, s0  }
0xed: {  	[hbm4b:s2+s1] =	stream.linear.scatter [tilespmem:s23], [sflag:$0x5], $0x2000, $0x38;
	[tilespmem:$0x8800] =	vst v63  }
0xee: {  	_ =	swait.ge [sflag:s21], $0x2000  }
0xef: {  	[sflag:s21] =	ssyncset.done $0x0;
	s24 =	rddreg [dreg:$0xb]  }
0xf0: {  	s25 =	simm.s32 $0x4800;
	[sflag:s21] =	ssyncadd.s32 $0xFFFFE000;
	s2 =	sadd.s32 s24, s0  }
0xf1: {  	[hbm4b:s2+s1] =	stream.linear.scatter [tilespmem:s25], [sflag:$0x5], $0x2000, $0x38;
	[tilespmem:$0x8800] =	vst v63  }
0xf2: {  	_ =	swait.ge [sflag:s21], $0x2000  }
0xf3: {  	[sflag:s21] =	ssyncset.done $0x0;
	s26 =	rddreg [dreg:$0xc]  }
0xf4: {  	s28 =	simm.s32 $0x6800;
	[sflag:s21] =	ssyncadd.s32 $0xFFFFE000;
	s0 =	sadd.s32 s26, s0  }
0xf5: {  	[hbm4b:s0+s1] =	stream.linear.scatter [tilespmem:s28], [sflag:$0x5], $0x2000, $0x38;
	[tilespmem:$0x8800] =	vst v63  }
0xf6: {  	_ =	swait.ge [sflag:s21], $0x2000  }
0xf7: {  	s29 =	rddreg [dreg:$0x19]  }
0xf8: {  	s8 =	sadd.s32 $0x1, s29  }
0xf9: {  	p0 =	sne.s32 s8, $0x8  }
.Ltmp1:
0xfa: {  	_ = 	snop;
	(pc) =	sbr.rel @p0 .LBB2_2-.Ltmp1, $4  }
0xfb: {  	_ = 	snop  }
0xfc: {  	s30 =	rddreg [dreg:$0x17]  }
0xfd: {  	[sflag:s21] =	ssyncset.done $0x0;
	s31 =	rddreg [dreg:$0x18]  }
0xfe: {  	[sflag:s21] =	ssyncadd.s32 $0xFFFFE000;
	s2 =	sadd.s32 $0x40, s30;
	s3 =	sadd.s32 $0x40, s31  }
0xff: {  	s2 =	rddreg [dreg:$0x16]  }
0x100: {  	s0 =	rddreg [dreg:$0x13];
	s2 =	sadd.s32 $0x1, s2  }
0x101: {  	p0 =	sne.s32 s2, s0  }
.Ltmp2:
0x102: {  	_ = 	snop;
	(pc) =	sbr.rel @p0 .LBB2_1-.Ltmp2, $1  }
0x103: {  	_ =	sdelay $0x3  }
0x104: {  	_ =	sfence.sel $0x180000  }
0x105: {  	[bflag:$0x0] =	sbarrier.arrive $0xFFFF  }
0x106: {  	_ =	strace $0x90000047  }
0x107: {  	s0 =	stileid.u32;
	[bflag:$0x2] =	sbarrier.arrive $0xFFFF  }
0x108: {  	p0 =	sne.s32 s0, $0x0;
	s0 =	rddreg [dreg:$0x5]  }
0x109: {  	s0 =	sadd.s32 @!p0 $0x100000, s0  }
0x10a: {  	[sflag:s0] =	ssyncadd.tile.s32 @!p0 $0x1;
	_ =	shalt  }
.Lfunc_end2:
_tile_overlayer_lowered:
.L_overlay_start_2:
0x10b: {  	(tag) =	ssettag $0x2  }
0x10c: {  	s0 =	rddreg [dreg:$0x0];
	s2 =	stileid.u32  }
0x10d: {  	s1 =	rddreg [dreg:$0x1];
	p0 =	sne.s32 s2, $0x0  }
0x10e: {  	s3 =	rddreg [dreg:$0x2];
	[bflag:$0x3] =	sbarrier.arrive $0xFFFF;
	s2 =	simm.s32 @!p0 $0x1C05  }
0x10f: {  	[timem:s3], [sflag:s2] =	dma.local @!p0 [hbm:s0], s1  }
0x110: {  	s0 =	simm.s32 @!p0 $0x5  }
0x111: {  	_ =	swait.ge @!p0 [sflag:s0], s1  }
0x112: {  	s1 =	ssub.s32 @!p0 $0x0, s1;
	[sflag:s0] =	ssyncset.done @!p0 $0x0  }
0x113: {  	[sflag:s0] =	ssyncadd.s32 @!p0 s1  }
0x114: {  	[bflag:$0x3] =	sbarrier.arrive $0xFFFF  }
0x115: {  	_ =	shalt  }

</sc_bundles>
